<compile_context>
chip_gen: v7x
topology: tpu7x:2x2x1
jax: 0.10.2.dev20260603
libtpu: 0.0.44.dev20260713+nightly
codegen_flags: <defaults>
</compile_context>

<pallas_src>
import functools

import jax
import jax.numpy as jnp
from jax import lax
from jax.experimental import pallas as pl
from jax.experimental.pallas import tpu as pltpu
from jax.experimental.pallas import tpu_sc as plsc

EMBED_DIM = 64
PAD_DIM = 128
HIST_PAD = 56
NUM_CORES = 2
NUM_SUBCORES = 16
NUM_WORKERS = NUM_CORES * NUM_SUBCORES
CHUNK_B = 4
N_BUF = 4


@functools.partial(jax.jit, static_argnames=("batch", "hist", "b_per_w"))
def _gather(idx, table, *, batch, hist, b_per_w):
  mesh = plsc.VectorSubcoreMesh(core_axis_name="c", subcore_axis_name="s")
  rows_per_chunk = CHUNK_B * hist
  n_chunks = b_per_w // CHUNK_B

  @functools.partial(
      pl.kernel,
      out_type=jax.ShapeDtypeStruct((batch, HIST_PAD, PAD_DIM), jnp.float32),
      mesh=mesh,
      scratch_types=[
          pltpu.VMEM((b_per_w * hist,), jnp.int32),
          pltpu.VMEM((rows_per_chunk, EMBED_DIM), jnp.float32),
          pltpu.VMEM((rows_per_chunk, EMBED_DIM), jnp.float32),
          pltpu.VMEM((rows_per_chunk, EMBED_DIM), jnp.float32),
          pltpu.VMEM((rows_per_chunk, EMBED_DIM), jnp.float32),
          pltpu.SemaphoreType.DMA,
          pltpu.SemaphoreType.DMA,
          pltpu.SemaphoreType.DMA,
          pltpu.SemaphoreType.DMA,
      ],
      compiler_params=pltpu.CompilerParams(use_tc_tiling_on_sc=False),
  )
  def k(idx_hbm, table_hbm, out_hbm, idx_v, rows0, rows1, rows2, rows3,
        sem0, sem1, sem2, sem3):
    wid = lax.axis_index("s") * NUM_CORES + lax.axis_index("c")
    base_b = wid * b_per_w
    rows = (rows0, rows1, rows2, rows3)
    sems = (sem0, sem1, sem2, sem3)

    pltpu.sync_copy(idx_hbm.at[pl.ds(base_b * hist, b_per_w * hist)], idx_v)

    def gather(c, b):
      return pltpu.make_async_copy(
          table_hbm.at[idx_v.at[pl.ds(c * rows_per_chunk, rows_per_chunk)]],
          rows[b], sems[b])

    for b in range(N_BUF):
      gather(b, b).start()

    @pl.loop(0, n_chunks, step=N_BUF)
    def _(g):
      for b in range(N_BUF):
        c = g + b
        gather(c, b).wait()
        for j in range(CHUNK_B):
          pltpu.sync_copy(
              rows[b].at[pl.ds(j * hist, hist), :],
              out_hbm.at[base_b + c * CHUNK_B + j, pl.ds(0, hist),
                         pl.ds(0, EMBED_DIM)])
        nxt = c + N_BUF

        @pl.when(nxt < n_chunks)
        def _():
          gather(nxt, b).start()

  return k(idx, table)


def kernel(x, table):
  batch, hist = x.shape
  b_per_w = batch // NUM_WORKERS
  idx = x.reshape(batch * hist).astype(jnp.int32)
  out = _gather(idx, table, batch=batch, hist=hist, b_per_w=b_per_w)
  return out[:, :hist, :EMBED_DIM]

# --- scband reference (transcript-rebuilt; emitter-appended) ---
"""Pipeline reference for scband-embedder-13185549599136 (READ-ONLY COPY).

The authoritative reference and input builder live on the scoring server;
editing this copy changes nothing except your own understanding.
"""

import jax, jax.numpy as jnp
import numpy as np

VOCAB = 1000000
EMBED_DIM = 64
BATCH = 16384
HIST = 50

def setup_inputs(seed: int = 0) -> dict:
    key = jax.random.key(seed)
    k1, k2 = jax.random.split(key)
    x = jax.random.randint(k1, (BATCH, HIST), 0, VOCAB, dtype=jnp.int64) if jax.config.jax_enable_x64 else jax.random.randint(k1, (BATCH, HIST), 0, VOCAB, dtype=jnp.int32)
    table = jax.random.normal(k2, (VOCAB, EMBED_DIM), dtype=jnp.float32)
    return {"x": x, "table": table}

def reference(x, table):
    # nn.Embedding forward: gather rows of the embedding table by index
    return jnp.take(table, x, axis=0)

if __name__ == "__main__":
    import jax
    _d = setup_inputs()
    print(jax.jit(kernel)(*tuple(_d.values())))

</pallas_src>

<mosaic_0001>
#map = affine_map<(d0, d1) -> (0)>
#map1 = affine_map<(d0, d1) -> (0, 0)>
#map2 = affine_map<(d0, d1) -> (0, 0, 0)>
module attributes {stable_mosaic.version = 14 : i64} {
  func.func @k(%arg0: i32, %arg1: i32, %arg2: memref<819200xi32, #tpu.memory_space<hbm>>, %arg3: memref<1000000x64xf32, #tpu.memory_space<hbm>>, %arg4: memref<16384x56x128xf32, #tpu.memory_space<hbm>>, %arg5: memref<25600xi32, #tpu.memory_space<vmem>>, %arg6: memref<200x64xf32, #tpu.memory_space<vmem>>, %arg7: memref<200x64xf32, #tpu.memory_space<vmem>>, %arg8: memref<200x64xf32, #tpu.memory_space<vmem>>, %arg9: memref<200x64xf32, #tpu.memory_space<vmem>>, %arg10: memref<!tpu.dma_semaphore, #tpu.memory_space<semaphore_mem>>, %arg11: memref<!tpu.dma_semaphore, #tpu.memory_space<semaphore_mem>>, %arg12: memref<!tpu.dma_semaphore, #tpu.memory_space<semaphore_mem>>, %arg13: memref<!tpu.dma_semaphore, #tpu.memory_space<semaphore_mem>>) attributes {dimension_semantics = [#tpu.dimension_semantics<core_parallel>, #tpu.dimension_semantics<subcore_parallel>], iteration_bounds = array<i64: 2, 16>, scalar_prefetch = 0 : i64, scratch_operands = 9 : i64, tpu.core_type = #tpu.core_type<sc_vector_subcore>, window_params = [{transform_indices = #map}, {transform_indices = #map1}, {transform_indices = #map2}]} {
    %mul3A = arith.constant 2 : i32
    %mul3A_0 = arith.muli %arg1, %mul3A : i32
    %add3A = arith.addi %mul3A_0, %arg0 : i32
    %mul3A_1 = arith.constant 512 : i32
    %mul3A_2 = arith.muli %add3A, %mul3A_1 : i32
    %mul3A_3 = arith.constant 50 : i32
    %mul3A_4 = arith.muli %mul3A_2, %mul3A_3 : i32
    "tpu.region"() ({
      %run_scoped3A = tpu.sem_alloc : memref<!tpu.dma_semaphore, #tpu.memory_space<semaphore_mem>>
      %dma_start3A_28 = tpu.memref_slice %arg2[%mul3A_4] : memref<819200xi32, #tpu.memory_space<hbm>> -> memref<25600xi32, #tpu.memory_space<hbm>>
      %dma_start3A_29 = tpu.memref_slice %arg2[%mul3A_4] : memref<819200xi32, #tpu.memory_space<hbm>> -> memref<25600xi32, #tpu.memory_space<hbm>>
      tpu.enqueue_dma source(%dma_start3A_29 : memref<25600xi32, #tpu.memory_space<hbm>>) target(%arg5 : memref<25600xi32, #tpu.memory_space<vmem>>) target_semaphore(%run_scoped3A : memref<!tpu.dma_semaphore, #tpu.memory_space<semaphore_mem>>)
      %dma_wait3A = tpu.memref_slice %arg2[%mul3A_4] : memref<819200xi32, #tpu.memory_space<hbm>> -> memref<25600xi32, #tpu.memory_space<hbm>>
      %dma_wait3A_30 = tpu.memref_slice %arg2[%mul3A_4] : memref<819200xi32, #tpu.memory_space<hbm>> -> memref<25600xi32, #tpu.memory_space<hbm>>
      tpu.wait_dma2 semaphore(%run_scoped3A : memref<!tpu.dma_semaphore, #tpu.memory_space<semaphore_mem>>) src(%dma_wait3A_30 : memref<25600xi32, #tpu.memory_space<hbm>>) dst(%arg5 : memref<25600xi32, #tpu.memory_space<vmem>>)
      tpu.yield
    }) : () -> ()
    %dma_start3A = arith.constant 0 : i32
    %dma_start3A_5 = tpu.memref_slice %arg5[%dma_start3A] : memref<25600xi32, #tpu.memory_space<vmem>> -> memref<200xi32, #tpu.memory_space<vmem>>
    %dma_start3A_6 = arith.constant 0 : i32
    %dma_start3A_7 = arith.constant 0 : i32
    %dma_start3A_8 = tpu.memref_slice %arg3[%dma_start3A_6, %dma_start3A_7] : memref<1000000x64xf32, #tpu.memory_space<hbm>> -> memref<1000000x64xf32, #tpu.memory_space<hbm>>
    tpu.enqueue_indirect_dma source(%dma_start3A_8 : memref<1000000x64xf32, #tpu.memory_space<hbm>>) target(%arg6 : memref<200x64xf32, #tpu.memory_space<vmem>>) offsets(%dma_start3A_5 : memref<200xi32, #tpu.memory_space<vmem>>) semaphore(%arg10 : memref<!tpu.dma_semaphore, #tpu.memory_space<semaphore_mem>>)
    %dma_start3A_9 = arith.constant 200 : i32
    %dma_start3A_10 = tpu.memref_slice %arg5[%dma_start3A_9] : memref<25600xi32, #tpu.memory_space<vmem>> -> memref<200xi32, #tpu.memory_space<vmem>>
    %dma_start3A_11 = arith.constant 0 : i32
    %dma_start3A_12 = arith.constant 0 : i32
    %dma_start3A_13 = tpu.memref_slice %arg3[%dma_start3A_11, %dma_start3A_12] : memref<1000000x64xf32, #tpu.memory_space<hbm>> -> memref<1000000x64xf32, #tpu.memory_space<hbm>>
    tpu.enqueue_indirect_dma source(%dma_start3A_13 : memref<1000000x64xf32, #tpu.memory_space<hbm>>) target(%arg7 : memref<200x64xf32, #tpu.memory_space<vmem>>) offsets(%dma_start3A_10 : memref<200xi32, #tpu.memory_space<vmem>>) semaphore(%arg11 : memref<!tpu.dma_semaphore, #tpu.memory_space<semaphore_mem>>)
    %dma_start3A_14 = arith.constant 400 : i32
    %dma_start3A_15 = tpu.memref_slice %arg5[%dma_start3A_14] : memref<25600xi32, #tpu.memory_space<vmem>> -> memref<200xi32, #tpu.memory_space<vmem>>
    %dma_start3A_16 = arith.constant 0 : i32
    %dma_start3A_17 = arith.constant 0 : i32
    %dma_start3A_18 = tpu.memref_slice %arg3[%dma_start3A_16, %dma_start3A_17] : memref<1000000x64xf32, #tpu.memory_space<hbm>> -> memref<1000000x64xf32, #tpu.memory_space<hbm>>
    tpu.enqueue_indirect_dma source(%dma_start3A_18 : memref<1000000x64xf32, #tpu.memory_space<hbm>>) target(%arg8 : memref<200x64xf32, #tpu.memory_space<vmem>>) offsets(%dma_start3A_15 : memref<200xi32, #tpu.memory_space<vmem>>) semaphore(%arg12 : memref<!tpu.dma_semaphore, #tpu.memory_space<semaphore_mem>>)
    %dma_start3A_19 = arith.constant 600 : i32
    %dma_start3A_20 = tpu.memref_slice %arg5[%dma_start3A_19] : memref<25600xi32, #tpu.memory_space<vmem>> -> memref<200xi32, #tpu.memory_space<vmem>>
    %dma_start3A_21 = arith.constant 0 : i32
    %dma_start3A_22 = arith.constant 0 : i32
    %dma_start3A_23 = tpu.memref_slice %arg3[%dma_start3A_21, %dma_start3A_22] : memref<1000000x64xf32, #tpu.memory_space<hbm>> -> memref<1000000x64xf32, #tpu.memory_space<hbm>>
    tpu.enqueue_indirect_dma source(%dma_start3A_23 : memref<1000000x64xf32, #tpu.memory_space<hbm>>) target(%arg9 : memref<200x64xf32, #tpu.memory_space<vmem>>) offsets(%dma_start3A_20 : memref<200xi32, #tpu.memory_space<vmem>>) semaphore(%arg13 : memref<!tpu.dma_semaphore, #tpu.memory_space<semaphore_mem>>)
    %scan3A = arith.constant 0 : i32
    %scan3A_24 = arith.constant 32 : i32
    %scan3A_25 = arith.addi %scan3A, %scan3A_24 : i32
    %scan3A_26 = arith.constant 1 : i32
    scf.for %scan3A_28 = %scan3A to %scan3A_25 step %scan3A_26  : i32 {
      %mul3A_29 = arith.constant 4 : i32
      %mul3A_30 = arith.muli %scan3A_28, %mul3A_29 : i32
      %add3A_31 = arith.constant 0 : i32
      %add3A_32 = arith.addi %add3A_31, %mul3A_30 : i32
      %add3A_33 = arith.constant 0 : i32
      %add3A_34 = arith.addi %add3A_32, %add3A_33 : i32
      %mul3A_35 = arith.constant 200 : i32
      %mul3A_36 = arith.muli %add3A_34, %mul3A_35 : i32
      %dma_wait3A = tpu.memref_slice %arg5[%mul3A_36] : memref<25600xi32, #tpu.memory_space<vmem>> -> memref<200xi32, #tpu.memory_space<vmem>>
      %dma_wait3A_37 = arith.constant 0 : i32
      %dma_wait3A_38 = arith.constant 0 : i32
      %dma_wait3A_39 = tpu.memref_slice %arg3[%dma_wait3A_37, %dma_wait3A_38] : memref<1000000x64xf32, #tpu.memory_space<hbm>> -> memref<1000000x64xf32, #tpu.memory_space<hbm>>
      tpu.wait_indirect_dma semaphore(%arg10 : memref<!tpu.dma_semaphore, #tpu.memory_space<semaphore_mem>>) src(%dma_wait3A_39 : memref<1000000x64xf32, #tpu.memory_space<hbm>>) dst(%arg6 : memref<200x64xf32, #tpu.memory_space<vmem>>)
      %mul3A_40 = arith.constant 4 : i32
      %mul3A_41 = arith.muli %add3A_34, %mul3A_40 : i32
      %add3A_42 = arith.addi %mul3A_2, %mul3A_41 : i32
      %add3A_43 = arith.constant 0 : i32
      %add3A_44 = arith.addi %add3A_42, %add3A_43 : i32
      "tpu.region"() ({
        %run_scoped3A = tpu.sem_alloc : memref<!tpu.dma_semaphore, #tpu.memory_space<semaphore_mem>>
        %dma_start3A_169 = arith.constant 0 : i32
        %dma_start3A_170 = arith.constant 0 : i32
        %dma_start3A_171 = tpu.memref_slice %arg6[%dma_start3A_169, %dma_start3A_170] : memref<200x64xf32, #tpu.memory_space<vmem>> -> memref<50x64xf32, #tpu.memory_space<vmem>>
        %dma_start3A_172 = arith.constant 0 : i32
        %dma_start3A_173 = arith.constant 0 : i32
        %dma_start3A_174 = tpu.memref_slice %arg4[%add3A_44, %dma_start3A_172, %dma_start3A_173] : memref<16384x56x128xf32, #tpu.memory_space<hbm>> -> memref<1x50x64xf32, #tpu.memory_space<hbm>>
        %dma_start3A_175 = tpu.memref_squeeze %dma_start3A_174 : memref<1x50x64xf32, #tpu.memory_space<hbm>> -> memref<50x64xf32, #tpu.memory_space<hbm>>
        %dma_start3A_176 = arith.constant 0 : i32
        %dma_start3A_177 = arith.constant 0 : i32
        %dma_start3A_178 = tpu.memref_slice %arg4[%add3A_44, %dma_start3A_176, %dma_start3A_177] : memref<16384x56x128xf32, #tpu.memory_space<hbm>> -> memref<1x50x64xf32, #tpu.memory_space<hbm>>
        %dma_start3A_179 = tpu.memref_squeeze %dma_start3A_178 : memref<1x50x64xf32, #tpu.memory_space<hbm>> -> memref<50x64xf32, #tpu.memory_space<hbm>>
        %dma_start3A_180 = arith.constant 0 : i32
        %dma_start3A_181 = arith.constant 0 : i32
        %dma_start3A_182 = tpu.memref_slice %arg6[%dma_start3A_180, %dma_start3A_181] : memref<200x64xf32, #tpu.memory_space<vmem>> -> memref<50x64xf32, #tpu.memory_space<vmem>>
        tpu.enqueue_dma source(%dma_start3A_182 : memref<50x64xf32, #tpu.memory_space<vmem>>) target(%dma_start3A_179 : memref<50x64xf32, #tpu.memory_space<hbm>>) target_semaphore(%run_scoped3A : memref<!tpu.dma_semaphore, #tpu.memory_space<semaphore_mem>>)
        %dma_wait3A_183 = arith.constant 0 : i32
        %dma_wait3A_184 = arith.constant 0 : i32
        %dma_wait3A_185 = tpu.memref_slice %arg6[%dma_wait3A_183, %dma_wait3A_184] : memref<200x64xf32, #tpu.memory_space<vmem>> -> memref<50x64xf32, #tpu.memory_space<vmem>>
        %dma_wait3A_186 = arith.constant 0 : i32
        %dma_wait3A_187 = arith.constant 0 : i32
        %dma_wait3A_188 = tpu.memref_slice %arg4[%add3A_44, %dma_wait3A_186, %dma_wait3A_187] : memref<16384x56x128xf32, #tpu.memory_space<hbm>> -> memref<1x50x64xf32, #tpu.memory_space<hbm>>
        %dma_wait3A_189 = tpu.memref_squeeze %dma_wait3A_188 : memref<1x50x64xf32, #tpu.memory_space<hbm>> -> memref<50x64xf32, #tpu.memory_space<hbm>>
        %dma_wait3A_190 = arith.constant 0 : i32
        %dma_wait3A_191 = arith.constant 0 : i32
        %dma_wait3A_192 = tpu.memref_slice %arg4[%add3A_44, %dma_wait3A_190, %dma_wait3A_191] : memref<16384x56x128xf32, #tpu.memory_space<hbm>> -> memref<1x50x64xf32, #tpu.memory_space<hbm>>
        %dma_wait3A_193 = tpu.memref_squeeze %dma_wait3A_192 : memref<1x50x64xf32, #tpu.memory_space<hbm>> -> memref<50x64xf32, #tpu.memory_space<hbm>>
        %dma_wait3A_194 = arith.constant 0 : i32
        %dma_wait3A_195 = arith.constant 0 : i32
        %dma_wait3A_196 = tpu.memref_slice %arg6[%dma_wait3A_194, %dma_wait3A_195] : memref<200x64xf32, #tpu.memory_space<vmem>> -> memref<50x64xf32, #tpu.memory_space<vmem>>
        tpu.wait_dma2 semaphore(%run_scoped3A : memref<!tpu.dma_semaphore, #tpu.memory_space<semaphore_mem>>) src(%dma_wait3A_196 : memref<50x64xf32, #tpu.memory_space<vmem>>) dst(%dma_wait3A_193 : memref<50x64xf32, #tpu.memory_space<hbm>>)
        tpu.yield
      }) : () -> ()
      %mul3A_45 = arith.constant 4 : i32
      %mul3A_46 = arith.muli %add3A_34, %mul3A_45 : i32
      %add3A_47 = arith.addi %mul3A_2, %mul3A_46 : i32
      %add3A_48 = arith.constant 1 : i32
      %add3A_49 = arith.addi %add3A_47, %add3A_48 : i32
      "tpu.region"() ({
        %run_scoped3A = tpu.sem_alloc : memref<!tpu.dma_semaphore, #tpu.memory_space<semaphore_mem>>
        %dma_start3A_169 = arith.constant 50 : i32
        %dma_start3A_170 = arith.constant 0 : i32
        %dma_start3A_171 = tpu.memref_slice %arg6[%dma_start3A_169, %dma_start3A_170] : memref<200x64xf32, #tpu.memory_space<vmem>> -> memref<50x64xf32, #tpu.memory_space<vmem>>
        %dma_start3A_172 = arith.constant 0 : i32
        %dma_start3A_173 = arith.constant 0 : i32
        %dma_start3A_174 = tpu.memref_slice %arg4[%add3A_49, %dma_start3A_172, %dma_start3A_173] : memref<16384x56x128xf32, #tpu.memory_space<hbm>> -> memref<1x50x64xf32, #tpu.memory_space<hbm>>
        %dma_start3A_175 = tpu.memref_squeeze %dma_start3A_174 : memref<1x50x64xf32, #tpu.memory_space<hbm>> -> memref<50x64xf32, #tpu.memory_space<hbm>>
        %dma_start3A_176 = arith.constant 0 : i32
        %dma_start3A_177 = arith.constant 0 : i32
        %dma_start3A_178 = tpu.memref_slice %arg4[%add3A_49, %dma_start3A_176, %dma_start3A_177] : memref<16384x56x128xf32, #tpu.memory_space<hbm>> -> memref<1x50x64xf32, #tpu.memory_space<hbm>>
        %dma_start3A_179 = tpu.memref_squeeze %dma_start3A_178 : memref<1x50x64xf32, #tpu.memory_space<hbm>> -> memref<50x64xf32, #tpu.memory_space<hbm>>
        %dma_start3A_180 = arith.constant 50 : i32
        %dma_start3A_181 = arith.constant 0 : i32
        %dma_start3A_182 = tpu.memref_slice %arg6[%dma_start3A_180, %dma_start3A_181] : memref<200x64xf32, #tpu.memory_space<vmem>> -> memref<50x64xf32, #tpu.memory_space<vmem>>
        tpu.enqueue_dma source(%dma_start3A_182 : memref<50x64xf32, #tpu.memory_space<vmem>>) target(%dma_start3A_179 : memref<50x64xf32, #tpu.memory_space<hbm>>) target_semaphore(%run_scoped3A : memref<!tpu.dma_semaphore, #tpu.memory_space<semaphore_mem>>)
        %dma_wait3A_183 = arith.constant 50 : i32
        %dma_wait3A_184 = arith.constant 0 : i32
        %dma_wait3A_185 = tpu.memref_slice %arg6[%dma_wait3A_183, %dma_wait3A_184] : memref<200x64xf32, #tpu.memory_space<vmem>> -> memref<50x64xf32, #tpu.memory_space<vmem>>
        %dma_wait3A_186 = arith.constant 0 : i32
        %dma_wait3A_187 = arith.constant 0 : i32
        %dma_wait3A_188 = tpu.memref_slice %arg4[%add3A_49, %dma_wait3A_186, %dma_wait3A_187] : memref<16384x56x128xf32, #tpu.memory_space<hbm>> -> memref<1x50x64xf32, #tpu.memory_space<hbm>>
        %dma_wait3A_189 = tpu.memref_squeeze %dma_wait3A_188 : memref<1x50x64xf32, #tpu.memory_space<hbm>> -> memref<50x64xf32, #tpu.memory_space<hbm>>
        %dma_wait3A_190 = arith.constant 0 : i32
        %dma_wait3A_191 = arith.constant 0 : i32
        %dma_wait3A_192 = tpu.memref_slice %arg4[%add3A_49, %dma_wait3A_190, %dma_wait3A_191] : memref<16384x56x128xf32, #tpu.memory_space<hbm>> -> memref<1x50x64xf32, #tpu.memory_space<hbm>>
        %dma_wait3A_193 = tpu.memref_squeeze %dma_wait3A_192 : memref<1x50x64xf32, #tpu.memory_space<hbm>> -> memref<50x64xf32, #tpu.memory_space<hbm>>
        %dma_wait3A_194 = arith.constant 50 : i32
        %dma_wait3A_195 = arith.constant 0 : i32
        %dma_wait3A_196 = tpu.memref_slice %arg6[%dma_wait3A_194, %dma_wait3A_195] : memref<200x64xf32, #tpu.memory_space<vmem>> -> memref<50x64xf32, #tpu.memory_space<vmem>>
        tpu.wait_dma2 semaphore(%run_scoped3A : memref<!tpu.dma_semaphore, #tpu.memory_space<semaphore_mem>>) src(%dma_wait3A_196 : memref<50x64xf32, #tpu.memory_space<vmem>>) dst(%dma_wait3A_193 : memref<50x64xf32, #tpu.memory_space<hbm>>)
        tpu.yield
      }) : () -> ()
      %mul3A_50 = arith.constant 4 : i32
      %mul3A_51 = arith.muli %add3A_34, %mul3A_50 : i32
      %add3A_52 = arith.addi %mul3A_2, %mul3A_51 : i32
      %add3A_53 = arith.constant 2 : i32
      %add3A_54 = arith.addi %add3A_52, %add3A_53 : i32
      "tpu.region"() ({
        %run_scoped3A = tpu.sem_alloc : memref<!tpu.dma_semaphore, #tpu.memory_space<semaphore_mem>>
        %dma_start3A_169 = arith.constant 100 : i32
        %dma_start3A_170 = arith.constant 0 : i32
        %dma_start3A_171 = tpu.memref_slice %arg6[%dma_start3A_169, %dma_start3A_170] : memref<200x64xf32, #tpu.memory_space<vmem>> -> memref<50x64xf32, #tpu.memory_space<vmem>>
        %dma_start3A_172 = arith.constant 0 : i32
        %dma_start3A_173 = arith.constant 0 : i32
        %dma_start3A_174 = tpu.memref_slice %arg4[%add3A_54, %dma_start3A_172, %dma_start3A_173] : memref<16384x56x128xf32, #tpu.memory_space<hbm>> -> memref<1x50x64xf32, #tpu.memory_space<hbm>>
        %dma_start3A_175 = tpu.memref_squeeze %dma_start3A_174 : memref<1x50x64xf32, #tpu.memory_space<hbm>> -> memref<50x64xf32, #tpu.memory_space<hbm>>
        %dma_start3A_176 = arith.constant 0 : i32
        %dma_start3A_177 = arith.constant 0 : i32
        %dma_start3A_178 = tpu.memref_slice %arg4[%add3A_54, %dma_start3A_176, %dma_start3A_177] : memref<16384x56x128xf32, #tpu.memory_space<hbm>> -> memref<1x50x64xf32, #tpu.memory_space<hbm>>
        %dma_start3A_179 = tpu.memref_squeeze %dma_start3A_178 : memref<1x50x64xf32, #tpu.memory_space<hbm>> -> memref<50x64xf32, #tpu.memory_space<hbm>>
        %dma_start3A_180 = arith.constant 100 : i32
        %dma_start3A_181 = arith.constant 0 : i32
        %dma_start3A_182 = tpu.memref_slice %arg6[%dma_start3A_180, %dma_start3A_181] : memref<200x64xf32, #tpu.memory_space<vmem>> -> memref<50x64xf32, #tpu.memory_space<vmem>>
        tpu.enqueue_dma source(%dma_start3A_182 : memref<50x64xf32, #tpu.memory_space<vmem>>) target(%dma_start3A_179 : memref<50x64xf32, #tpu.memory_space<hbm>>) target_semaphore(%run_scoped3A : memref<!tpu.dma_semaphore, #tpu.memory_space<semaphore_mem>>)
        %dma_wait3A_183 = arith.constant 100 : i32
        %dma_wait3A_184 = arith.constant 0 : i32
        %dma_wait3A_185 = tpu.memref_slice %arg6[%dma_wait3A_183, %dma_wait3A_184] : memref<200x64xf32, #tpu.memory_space<vmem>> -> memref<50x64xf32, #tpu.memory_space<vmem>>
        %dma_wait3A_186 = arith.constant 0 : i32
        %dma_wait3A_187 = arith.constant 0 : i32
        %dma_wait3A_188 = tpu.memref_slice %arg4[%add3A_54, %dma_wait3A_186, %dma_wait3A_187] : memref<16384x56x128xf32, #tpu.memory_space<hbm>> -> memref<1x50x64xf32, #tpu.memory_space<hbm>>
        %dma_wait3A_189 = tpu.memref_squeeze %dma_wait3A_188 : memref<1x50x64xf32, #tpu.memory_space<hbm>> -> memref<50x64xf32, #tpu.memory_space<hbm>>
        %dma_wait3A_190 = arith.constant 0 : i32
        %dma_wait3A_191 = arith.constant 0 : i32
        %dma_wait3A_192 = tpu.memref_slice %arg4[%add3A_54, %dma_wait3A_190, %dma_wait3A_191] : memref<16384x56x128xf32, #tpu.memory_space<hbm>> -> memref<1x50x64xf32, #tpu.memory_space<hbm>>
        %dma_wait3A_193 = tpu.memref_squeeze %dma_wait3A_192 : memref<1x50x64xf32, #tpu.memory_space<hbm>> -> memref<50x64xf32, #tpu.memory_space<hbm>>
        %dma_wait3A_194 = arith.constant 100 : i32
        %dma_wait3A_195 = arith.constant 0 : i32
        %dma_wait3A_196 = tpu.memref_slice %arg6[%dma_wait3A_194, %dma_wait3A_195] : memref<200x64xf32, #tpu.memory_space<vmem>> -> memref<50x64xf32, #tpu.memory_space<vmem>>
        tpu.wait_dma2 semaphore(%run_scoped3A : memref<!tpu.dma_semaphore, #tpu.memory_space<semaphore_mem>>) src(%dma_wait3A_196 : memref<50x64xf32, #tpu.memory_space<vmem>>) dst(%dma_wait3A_193 : memref<50x64xf32, #tpu.memory_space<hbm>>)
        tpu.yield
      }) : () -> ()
      %mul3A_55 = arith.constant 4 : i32
      %mul3A_56 = arith.muli %add3A_34, %mul3A_55 : i32
      %add3A_57 = arith.addi %mul3A_2, %mul3A_56 : i32
      %add3A_58 = arith.constant 3 : i32
      %add3A_59 = arith.addi %add3A_57, %add3A_58 : i32
      "tpu.region"() ({
        %run_scoped3A = tpu.sem_alloc : memref<!tpu.dma_semaphore, #tpu.memory_space<semaphore_mem>>
        %dma_start3A_169 = arith.constant 150 : i32
        %dma_start3A_170 = arith.constant 0 : i32
        %dma_start3A_171 = tpu.memref_slice %arg6[%dma_start3A_169, %dma_start3A_170] : memref<200x64xf32, #tpu.memory_space<vmem>> -> memref<50x64xf32, #tpu.memory_space<vmem>>
        %dma_start3A_172 = arith.constant 0 : i32
        %dma_start3A_173 = arith.constant 0 : i32
        %dma_start3A_174 = tpu.memref_slice %arg4[%add3A_59, %dma_start3A_172, %dma_start3A_173] : memref<16384x56x128xf32, #tpu.memory_space<hbm>> -> memref<1x50x64xf32, #tpu.memory_space<hbm>>
        %dma_start3A_175 = tpu.memref_squeeze %dma_start3A_174 : memref<1x50x64xf32, #tpu.memory_space<hbm>> -> memref<50x64xf32, #tpu.memory_space<hbm>>
        %dma_start3A_176 = arith.constant 0 : i32
        %dma_start3A_177 = arith.constant 0 : i32
        %dma_start3A_178 = tpu.memref_slice %arg4[%add3A_59, %dma_start3A_176, %dma_start3A_177] : memref<16384x56x128xf32, #tpu.memory_space<hbm>> -> memref<1x50x64xf32, #tpu.memory_space<hbm>>
        %dma_start3A_179 = tpu.memref_squeeze %dma_start3A_178 : memref<1x50x64xf32, #tpu.memory_space<hbm>> -> memref<50x64xf32, #tpu.memory_space<hbm>>
        %dma_start3A_180 = arith.constant 150 : i32
        %dma_start3A_181 = arith.constant 0 : i32
        %dma_start3A_182 = tpu.memref_slice %arg6[%dma_start3A_180, %dma_start3A_181] : memref<200x64xf32, #tpu.memory_space<vmem>> -> memref<50x64xf32, #tpu.memory_space<vmem>>
        tpu.enqueue_dma source(%dma_start3A_182 : memref<50x64xf32, #tpu.memory_space<vmem>>) target(%dma_start3A_179 : memref<50x64xf32, #tpu.memory_space<hbm>>) target_semaphore(%run_scoped3A : memref<!tpu.dma_semaphore, #tpu.memory_space<semaphore_mem>>)
        %dma_wait3A_183 = arith.constant 150 : i32
        %dma_wait3A_184 = arith.constant 0 : i32
        %dma_wait3A_185 = tpu.memref_slice %arg6[%dma_wait3A_183, %dma_wait3A_184] : memref<200x64xf32, #tpu.memory_space<vmem>> -> memref<50x64xf32, #tpu.memory_space<vmem>>
        %dma_wait3A_186 = arith.constant 0 : i32
        %dma_wait3A_187 = arith.constant 0 : i32
        %dma_wait3A_188 = tpu.memref_slice %arg4[%add3A_59, %dma_wait3A_186, %dma_wait3A_187] : memref<16384x56x128xf32, #tpu.memory_space<hbm>> -> memref<1x50x64xf32, #tpu.memory_space<hbm>>
        %dma_wait3A_189 = tpu.memref_squeeze %dma_wait3A_188 : memref<1x50x64xf32, #tpu.memory_space<hbm>> -> memref<50x64xf32, #tpu.memory_space<hbm>>
        %dma_wait3A_190 = arith.constant 0 : i32
        %dma_wait3A_191 = arith.constant 0 : i32
        %dma_wait3A_192 = tpu.memref_slice %arg4[%add3A_59, %dma_wait3A_190, %dma_wait3A_191] : memref<16384x56x128xf32, #tpu.memory_space<hbm>> -> memref<1x50x64xf32, #tpu.memory_space<hbm>>
        %dma_wait3A_193 = tpu.memref_squeeze %dma_wait3A_192 : memref<1x50x64xf32, #tpu.memory_space<hbm>> -> memref<50x64xf32, #tpu.memory_space<hbm>>
        %dma_wait3A_194 = arith.constant 150 : i32
        %dma_wait3A_195 = arith.constant 0 : i32
        %dma_wait3A_196 = tpu.memref_slice %arg6[%dma_wait3A_194, %dma_wait3A_195] : memref<200x64xf32, #tpu.memory_space<vmem>> -> memref<50x64xf32, #tpu.memory_space<vmem>>
        tpu.wait_dma2 semaphore(%run_scoped3A : memref<!tpu.dma_semaphore, #tpu.memory_space<semaphore_mem>>) src(%dma_wait3A_196 : memref<50x64xf32, #tpu.memory_space<vmem>>) dst(%dma_wait3A_193 : memref<50x64xf32, #tpu.memory_space<hbm>>)
        tpu.yield
      }) : () -> ()
      %add3A_60 = arith.constant 4 : i32
      %add3A_61 = arith.addi %add3A_34, %add3A_60 : i32
      %lt3A = arith.constant 128 : i32
      %lt3A_62 = arith.cmpi slt, %add3A_61, %lt3A : i32
      %convert_element_type3A = arith.extui %lt3A_62 : i1 to i32
      %cond3A = arith.constant 0 : i32
      %cond3A_63 = arith.cmpi ne, %convert_element_type3A, %cond3A : i32
      scf.if %cond3A_63 {
        %mul3A_169 = arith.constant 200 : i32
        %mul3A_170 = arith.muli %add3A_61, %mul3A_169 : i32
        %dma_start3A_171 = tpu.memref_slice %arg5[%mul3A_170] : memref<25600xi32, #tpu.memory_space<vmem>> -> memref<200xi32, #tpu.memory_space<vmem>>
        %dma_start3A_172 = arith.constant 0 : i32
        %dma_start3A_173 = arith.constant 0 : i32
        %dma_start3A_174 = tpu.memref_slice %arg3[%dma_start3A_172, %dma_start3A_173] : memref<1000000x64xf32, #tpu.memory_space<hbm>> -> memref<1000000x64xf32, #tpu.memory_space<hbm>>
        tpu.enqueue_indirect_dma source(%dma_start3A_174 : memref<1000000x64xf32, #tpu.memory_space<hbm>>) target(%arg6 : memref<200x64xf32, #tpu.memory_space<vmem>>) offsets(%dma_start3A_171 : memref<200xi32, #tpu.memory_space<vmem>>) semaphore(%arg10 : memref<!tpu.dma_semaphore, #tpu.memory_space<semaphore_mem>>)
      } else {
      }
      %add3A_64 = arith.constant 1 : i32
      %add3A_65 = arith.addi %add3A_32, %add3A_64 : i32
      %mul3A_66 = arith.constant 200 : i32
      %mul3A_67 = arith.muli %add3A_65, %mul3A_66 : i32
      %dma_wait3A_68 = tpu.memref_slice %arg5[%mul3A_67] : memref<25600xi32, #tpu.memory_space<vmem>> -> memref<200xi32, #tpu.memory_space<vmem>>
      %dma_wait3A_69 = arith.constant 0 : i32
      %dma_wait3A_70 = arith.constant 0 : i32
      %dma_wait3A_71 = tpu.memref_slice %arg3[%dma_wait3A_69, %dma_wait3A_70] : memref<1000000x64xf32, #tpu.memory_space<hbm>> -> memref<1000000x64xf32, #tpu.memory_space<hbm>>
      tpu.wait_indirect_dma semaphore(%arg11 : memref<!tpu.dma_semaphore, #tpu.memory_space<semaphore_mem>>) src(%dma_wait3A_71 : memref<1000000x64xf32, #tpu.memory_space<hbm>>) dst(%arg7 : memref<200x64xf32, #tpu.memory_space<vmem>>)
      %mul3A_72 = arith.constant 4 : i32
      %mul3A_73 = arith.muli %add3A_65, %mul3A_72 : i32
      %add3A_74 = arith.addi %mul3A_2, %mul3A_73 : i32
      %add3A_75 = arith.constant 0 : i32
      %add3A_76 = arith.addi %add3A_74, %add3A_75 : i32
      "tpu.region"() ({
        %run_scoped3A = tpu.sem_alloc : memref<!tpu.dma_semaphore, #tpu.memory_space<semaphore_mem>>
        %dma_start3A_169 = arith.constant 0 : i32
        %dma_start3A_170 = arith.constant 0 : i32
        %dma_start3A_171 = tpu.memref_slice %arg7[%dma_start3A_169, %dma_start3A_170] : memref<200x64xf32, #tpu.memory_space<vmem>> -> memref<50x64xf32, #tpu.memory_space<vmem>>
        %dma_start3A_172 = arith.constant 0 : i32
        %dma_start3A_173 = arith.constant 0 : i32
        %dma_start3A_174 = tpu.memref_slice %arg4[%add3A_76, %dma_start3A_172, %dma_start3A_173] : memref<16384x56x128xf32, #tpu.memory_space<hbm>> -> memref<1x50x64xf32, #tpu.memory_space<hbm>>
        %dma_start3A_175 = tpu.memref_squeeze %dma_start3A_174 : memref<1x50x64xf32, #tpu.memory_space<hbm>> -> memref<50x64xf32, #tpu.memory_space<hbm>>
        %dma_start3A_176 = arith.constant 0 : i32
        %dma_start3A_177 = arith.constant 0 : i32
        %dma_start3A_178 = tpu.memref_slice %arg4[%add3A_76, %dma_start3A_176, %dma_start3A_177] : memref<16384x56x128xf32, #tpu.memory_space<hbm>> -> memref<1x50x64xf32, #tpu.memory_space<hbm>>
        %dma_start3A_179 = tpu.memref_squeeze %dma_start3A_178 : memref<1x50x64xf32, #tpu.memory_space<hbm>> -> memref<50x64xf32, #tpu.memory_space<hbm>>
        %dma_start3A_180 = arith.constant 0 : i32
        %dma_start3A_181 = arith.constant 0 : i32
        %dma_start3A_182 = tpu.memref_slice %arg7[%dma_start3A_180, %dma_start3A_181] : memref<200x64xf32, #tpu.memory_space<vmem>> -> memref<50x64xf32, #tpu.memory_space<vmem>>
        tpu.enqueue_dma source(%dma_start3A_182 : memref<50x64xf32, #tpu.memory_space<vmem>>) target(%dma_start3A_179 : memref<50x64xf32, #tpu.memory_space<hbm>>) target_semaphore(%run_scoped3A : memref<!tpu.dma_semaphore, #tpu.memory_space<semaphore_mem>>)
        %dma_wait3A_183 = arith.constant 0 : i32
        %dma_wait3A_184 = arith.constant 0 : i32
        %dma_wait3A_185 = tpu.memref_slice %arg7[%dma_wait3A_183, %dma_wait3A_184] : memref<200x64xf32, #tpu.memory_space<vmem>> -> memref<50x64xf32, #tpu.memory_space<vmem>>
        %dma_wait3A_186 = arith.constant 0 : i32
        %dma_wait3A_187 = arith.constant 0 : i32
        %dma_wait3A_188 = tpu.memref_slice %arg4[%add3A_76, %dma_wait3A_186, %dma_wait3A_187] : memref<16384x56x128xf32, #tpu.memory_space<hbm>> -> memref<1x50x64xf32, #tpu.memory_space<hbm>>
        %dma_wait3A_189 = tpu.memref_squeeze %dma_wait3A_188 : memref<1x50x64xf32, #tpu.memory_space<hbm>> -> memref<50x64xf32, #tpu.memory_space<hbm>>
        %dma_wait3A_190 = arith.constant 0 : i32
        %dma_wait3A_191 = arith.constant 0 : i32
        %dma_wait3A_192 = tpu.memref_slice %arg4[%add3A_76, %dma_wait3A_190, %dma_wait3A_191] : memref<16384x56x128xf32, #tpu.memory_space<hbm>> -> memref<1x50x64xf32, #tpu.memory_space<hbm>>
        %dma_wait3A_193 = tpu.memref_squeeze %dma_wait3A_192 : memref<1x50x64xf32, #tpu.memory_space<hbm>> -> memref<50x64xf32, #tpu.memory_space<hbm>>
        %dma_wait3A_194 = arith.constant 0 : i32
        %dma_wait3A_195 = arith.constant 0 : i32
        %dma_wait3A_196 = tpu.memref_slice %arg7[%dma_wait3A_194, %dma_wait3A_195] : memref<200x64xf32, #tpu.memory_space<vmem>> -> memref<50x64xf32, #tpu.memory_space<vmem>>
        tpu.wait_dma2 semaphore(%run_scoped3A : memref<!tpu.dma_semaphore, #tpu.memory_space<semaphore_mem>>) src(%dma_wait3A_196 : memref<50x64xf32, #tpu.memory_space<vmem>>) dst(%dma_wait3A_193 : memref<50x64xf32, #tpu.memory_space<hbm>>)
        tpu.yield
      }) : () -> ()
      %mul3A_77 = arith.constant 4 : i32
      %mul3A_78 = arith.muli %add3A_65, %mul3A_77 : i32
      %add3A_79 = arith.addi %mul3A_2, %mul3A_78 : i32
      %add3A_80 = arith.constant 1 : i32
      %add3A_81 = arith.addi %add3A_79, %add3A_80 : i32
      "tpu.region"() ({
        %run_scoped3A = tpu.sem_alloc : memref<!tpu.dma_semaphore, #tpu.memory_space<semaphore_mem>>
        %dma_start3A_169 = arith.constant 50 : i32
        %dma_start3A_170 = arith.constant 0 : i32
        %dma_start3A_171 = tpu.memref_slice %arg7[%dma_start3A_169, %dma_start3A_170] : memref<200x64xf32, #tpu.memory_space<vmem>> -> memref<50x64xf32, #tpu.memory_space<vmem>>
        %dma_start3A_172 = arith.constant 0 : i32
        %dma_start3A_173 = arith.constant 0 : i32
        %dma_start3A_174 = tpu.memref_slice %arg4[%add3A_81, %dma_start3A_172, %dma_start3A_173] : memref<16384x56x128xf32, #tpu.memory_space<hbm>> -> memref<1x50x64xf32, #tpu.memory_space<hbm>>
        %dma_start3A_175 = tpu.memref_squeeze %dma_start3A_174 : memref<1x50x64xf32, #tpu.memory_space<hbm>> -> memref<50x64xf32, #tpu.memory_space<hbm>>
        %dma_start3A_176 = arith.constant 0 : i32
        %dma_start3A_177 = arith.constant 0 : i32
        %dma_start3A_178 = tpu.memref_slice %arg4[%add3A_81, %dma_start3A_176, %dma_start3A_177] : memref<16384x56x128xf32, #tpu.memory_space<hbm>> -> memref<1x50x64xf32, #tpu.memory_space<hbm>>
        %dma_start3A_179 = tpu.memref_squeeze %dma_start3A_178 : memref<1x50x64xf32, #tpu.memory_space<hbm>> -> memref<50x64xf32, #tpu.memory_space<hbm>>
        %dma_start3A_180 = arith.constant 50 : i32
        %dma_start3A_181 = arith.constant 0 : i32
        %dma_start3A_182 = tpu.memref_slice %arg7[%dma_start3A_180, %dma_start3A_181] : memref<200x64xf32, #tpu.memory_space<vmem>> -> memref<50x64xf32, #tpu.memory_space<vmem>>
        tpu.enqueue_dma source(%dma_start3A_182 : memref<50x64xf32, #tpu.memory_space<vmem>>) target(%dma_start3A_179 : memref<50x64xf32, #tpu.memory_space<hbm>>) target_semaphore(%run_scoped3A : memref<!tpu.dma_semaphore, #tpu.memory_space<semaphore_mem>>)
        %dma_wait3A_183 = arith.constant 50 : i32
        %dma_wait3A_184 = arith.constant 0 : i32
        %dma_wait3A_185 = tpu.memref_slice %arg7[%dma_wait3A_183, %dma_wait3A_184] : memref<200x64xf32, #tpu.memory_space<vmem>> -> memref<50x64xf32, #tpu.memory_space<vmem>>
        %dma_wait3A_186 = arith.constant 0 : i32
        %dma_wait3A_187 = arith.constant 0 : i32
        %dma_wait3A_188 = tpu.memref_slice %arg4[%add3A_81, %dma_wait3A_186, %dma_wait3A_187] : memref<16384x56x128xf32, #tpu.memory_space<hbm>> -> memref<1x50x64xf32, #tpu.memory_space<hbm>>
        %dma_wait3A_189 = tpu.memref_squeeze %dma_wait3A_188 : memref<1x50x64xf32, #tpu.memory_space<hbm>> -> memref<50x64xf32, #tpu.memory_space<hbm>>
        %dma_wait3A_190 = arith.constant 0 : i32
        %dma_wait3A_191 = arith.constant 0 : i32
        %dma_wait3A_192 = tpu.memref_slice %arg4[%add3A_81, %dma_wait3A_190, %dma_wait3A_191] : memref<16384x56x128xf32, #tpu.memory_space<hbm>> -> memref<1x50x64xf32, #tpu.memory_space<hbm>>
        %dma_wait3A_193 = tpu.memref_squeeze %dma_wait3A_192 : memref<1x50x64xf32, #tpu.memory_space<hbm>> -> memref<50x64xf32, #tpu.memory_space<hbm>>
        %dma_wait3A_194 = arith.constant 50 : i32
        %dma_wait3A_195 = arith.constant 0 : i32
        %dma_wait3A_196 = tpu.memref_slice %arg7[%dma_wait3A_194, %dma_wait3A_195] : memref<200x64xf32, #tpu.memory_space<vmem>> -> memref<50x64xf32, #tpu.memory_space<vmem>>
        tpu.wait_dma2 semaphore(%run_scoped3A : memref<!tpu.dma_semaphore, #tpu.memory_space<semaphore_mem>>) src(%dma_wait3A_196 : memref<50x64xf32, #tpu.memory_space<vmem>>) dst(%dma_wait3A_193 : memref<50x64xf32, #tpu.memory_space<hbm>>)
        tpu.yield
      }) : () -> ()
      %mul3A_82 = arith.constant 4 : i32
      %mul3A_83 = arith.muli %add3A_65, %mul3A_82 : i32
      %add3A_84 = arith.addi %mul3A_2, %mul3A_83 : i32
      %add3A_85 = arith.constant 2 : i32
      %add3A_86 = arith.addi %add3A_84, %add3A_85 : i32
      "tpu.region"() ({
        %run_scoped3A = tpu.sem_alloc : memref<!tpu.dma_semaphore, #tpu.memory_space<semaphore_mem>>
        %dma_start3A_169 = arith.constant 100 : i32
        %dma_start3A_170 = arith.constant 0 : i32
        %dma_start3A_171 = tpu.memref_slice %arg7[%dma_start3A_169, %dma_start3A_170] : memref<200x64xf32, #tpu.memory_space<vmem>> -> memref<50x64xf32, #tpu.memory_space<vmem>>
        %dma_start3A_172 = arith.constant 0 : i32
        %dma_start3A_173 = arith.constant 0 : i32
        %dma_start3A_174 = tpu.memref_slice %arg4[%add3A_86, %dma_start3A_172, %dma_start3A_173] : memref<16384x56x128xf32, #tpu.memory_space<hbm>> -> memref<1x50x64xf32, #tpu.memory_space<hbm>>
        %dma_start3A_175 = tpu.memref_squeeze %dma_start3A_174 : memref<1x50x64xf32, #tpu.memory_space<hbm>> -> memref<50x64xf32, #tpu.memory_space<hbm>>
        %dma_start3A_176 = arith.constant 0 : i32
        %dma_start3A_177 = arith.constant 0 : i32
        %dma_start3A_178 = tpu.memref_slice %arg4[%add3A_86, %dma_start3A_176, %dma_start3A_177] : memref<16384x56x128xf32, #tpu.memory_space<hbm>> -> memref<1x50x64xf32, #tpu.memory_space<hbm>>
        %dma_start3A_179 = tpu.memref_squeeze %dma_start3A_178 : memref<1x50x64xf32, #tpu.memory_space<hbm>> -> memref<50x64xf32, #tpu.memory_space<hbm>>
        %dma_start3A_180 = arith.constant 100 : i32
        %dma_start3A_181 = arith.constant 0 : i32
        %dma_start3A_182 = tpu.memref_slice %arg7[%dma_start3A_180, %dma_start3A_181] : memref<200x64xf32, #tpu.memory_space<vmem>> -> memref<50x64xf32, #tpu.memory_space<vmem>>
        tpu.enqueue_dma source(%dma_start3A_182 : memref<50x64xf32, #tpu.memory_space<vmem>>) target(%dma_start3A_179 : memref<50x64xf32, #tpu.memory_space<hbm>>) target_semaphore(%run_scoped3A : memref<!tpu.dma_semaphore, #tpu.memory_space<semaphore_mem>>)
        %dma_wait3A_183 = arith.constant 100 : i32
        %dma_wait3A_184 = arith.constant 0 : i32
        %dma_wait3A_185 = tpu.memref_slice %arg7[%dma_wait3A_183, %dma_wait3A_184] : memref<200x64xf32, #tpu.memory_space<vmem>> -> memref<50x64xf32, #tpu.memory_space<vmem>>
        %dma_wait3A_186 = arith.constant 0 : i32
        %dma_wait3A_187 = arith.constant 0 : i32
        %dma_wait3A_188 = tpu.memref_slice %arg4[%add3A_86, %dma_wait3A_186, %dma_wait3A_187] : memref<16384x56x128xf32, #tpu.memory_space<hbm>> -> memref<1x50x64xf32, #tpu.memory_space<hbm>>
        %dma_wait3A_189 = tpu.memref_squeeze %dma_wait3A_188 : memref<1x50x64xf32, #tpu.memory_space<hbm>> -> memref<50x64xf32, #tpu.memory_space<hbm>>
        %dma_wait3A_190 = arith.constant 0 : i32
        %dma_wait3A_191 = arith.constant 0 : i32
        %dma_wait3A_192 = tpu.memref_slice %arg4[%add3A_86, %dma_wait3A_190, %dma_wait3A_191] : memref<16384x56x128xf32, #tpu.memory_space<hbm>> -> memref<1x50x64xf32, #tpu.memory_space<hbm>>
        %dma_wait3A_193 = tpu.memref_squeeze %dma_wait3A_192 : memref<1x50x64xf32, #tpu.memory_space<hbm>> -> memref<50x64xf32, #tpu.memory_space<hbm>>
        %dma_wait3A_194 = arith.constant 100 : i32
        %dma_wait3A_195 = arith.constant 0 : i32
        %dma_wait3A_196 = tpu.memref_slice %arg7[%dma_wait3A_194, %dma_wait3A_195] : memref<200x64xf32, #tpu.memory_space<vmem>> -> memref<50x64xf32, #tpu.memory_space<vmem>>
        tpu.wait_dma2 semaphore(%run_scoped3A : memref<!tpu.dma_semaphore, #tpu.memory_space<semaphore_mem>>) src(%dma_wait3A_196 : memref<50x64xf32, #tpu.memory_space<vmem>>) dst(%dma_wait3A_193 : memref<50x64xf32, #tpu.memory_space<hbm>>)
        tpu.yield
      }) : () -> ()
      %mul3A_87 = arith.constant 4 : i32
      %mul3A_88 = arith.muli %add3A_65, %mul3A_87 : i32
      %add3A_89 = arith.addi %mul3A_2, %mul3A_88 : i32
      %add3A_90 = arith.constant 3 : i32
      %add3A_91 = arith.addi %add3A_89, %add3A_90 : i32
      "tpu.region"() ({
        %run_scoped3A = tpu.sem_alloc : memref<!tpu.dma_semaphore, #tpu.memory_space<semaphore_mem>>
        %dma_start3A_169 = arith.constant 150 : i32
        %dma_start3A_170 = arith.constant 0 : i32
        %dma_start3A_171 = tpu.memref_slice %arg7[%dma_start3A_169, %dma_start3A_170] : memref<200x64xf32, #tpu.memory_space<vmem>> -> memref<50x64xf32, #tpu.memory_space<vmem>>
        %dma_start3A_172 = arith.constant 0 : i32
        %dma_start3A_173 = arith.constant 0 : i32
        %dma_start3A_174 = tpu.memref_slice %arg4[%add3A_91, %dma_start3A_172, %dma_start3A_173] : memref<16384x56x128xf32, #tpu.memory_space<hbm>> -> memref<1x50x64xf32, #tpu.memory_space<hbm>>
        %dma_start3A_175 = tpu.memref_squeeze %dma_start3A_174 : memref<1x50x64xf32, #tpu.memory_space<hbm>> -> memref<50x64xf32, #tpu.memory_space<hbm>>
        %dma_start3A_176 = arith.constant 0 : i32
        %dma_start3A_177 = arith.constant 0 : i32
        %dma_start3A_178 = tpu.memref_slice %arg4[%add3A_91, %dma_start3A_176, %dma_start3A_177] : memref<16384x56x128xf32, #tpu.memory_space<hbm>> -> memref<1x50x64xf32, #tpu.memory_space<hbm>>
        %dma_start3A_179 = tpu.memref_squeeze %dma_start3A_178 : memref<1x50x64xf32, #tpu.memory_space<hbm>> -> memref<50x64xf32, #tpu.memory_space<hbm>>
        %dma_start3A_180 = arith.constant 150 : i32
        %dma_start3A_181 = arith.constant 0 : i32
        %dma_start3A_182 = tpu.memref_slice %arg7[%dma_start3A_180, %dma_start3A_181] : memref<200x64xf32, #tpu.memory_space<vmem>> -> memref<50x64xf32, #tpu.memory_space<vmem>>
        tpu.enqueue_dma source(%dma_start3A_182 : memref<50x64xf32, #tpu.memory_space<vmem>>) target(%dma_start3A_179 : memref<50x64xf32, #tpu.memory_space<hbm>>) target_semaphore(%run_scoped3A : memref<!tpu.dma_semaphore, #tpu.memory_space<semaphore_mem>>)
        %dma_wait3A_183 = arith.constant 150 : i32
        %dma_wait3A_184 = arith.constant 0 : i32
        %dma_wait3A_185 = tpu.memref_slice %arg7[%dma_wait3A_183, %dma_wait3A_184] : memref<200x64xf32, #tpu.memory_space<vmem>> -> memref<50x64xf32, #tpu.memory_space<vmem>>
        %dma_wait3A_186 = arith.constant 0 : i32
        %dma_wait3A_187 = arith.constant 0 : i32
        %dma_wait3A_188 = tpu.memref_slice %arg4[%add3A_91, %dma_wait3A_186, %dma_wait3A_187] : memref<16384x56x128xf32, #tpu.memory_space<hbm>> -> memref<1x50x64xf32, #tpu.memory_space<hbm>>
        %dma_wait3A_189 = tpu.memref_squeeze %dma_wait3A_188 : memref<1x50x64xf32, #tpu.memory_space<hbm>> -> memref<50x64xf32, #tpu.memory_space<hbm>>
        %dma_wait3A_190 = arith.constant 0 : i32
        %dma_wait3A_191 = arith.constant 0 : i32
        %dma_wait3A_192 = tpu.memref_slice %arg4[%add3A_91, %dma_wait3A_190, %dma_wait3A_191] : memref<16384x56x128xf32, #tpu.memory_space<hbm>> -> memref<1x50x64xf32, #tpu.memory_space<hbm>>
        %dma_wait3A_193 = tpu.memref_squeeze %dma_wait3A_192 : memref<1x50x64xf32, #tpu.memory_space<hbm>> -> memref<50x64xf32, #tpu.memory_space<hbm>>
        %dma_wait3A_194 = arith.constant 150 : i32
        %dma_wait3A_195 = arith.constant 0 : i32
        %dma_wait3A_196 = tpu.memref_slice %arg7[%dma_wait3A_194, %dma_wait3A_195] : memref<200x64xf32, #tpu.memory_space<vmem>> -> memref<50x64xf32, #tpu.memory_space<vmem>>
        tpu.wait_dma2 semaphore(%run_scoped3A : memref<!tpu.dma_semaphore, #tpu.memory_space<semaphore_mem>>) src(%dma_wait3A_196 : memref<50x64xf32, #tpu.memory_space<vmem>>) dst(%dma_wait3A_193 : memref<50x64xf32, #tpu.memory_space<hbm>>)
        tpu.yield
      }) : () -> ()
      %add3A_92 = arith.constant 4 : i32
      %add3A_93 = arith.addi %add3A_65, %add3A_92 : i32
      %lt3A_94 = arith.constant 128 : i32
      %lt3A_95 = arith.cmpi slt, %add3A_93, %lt3A_94 : i32
      %convert_element_type3A_96 = arith.extui %lt3A_95 : i1 to i32
      %cond3A_97 = arith.constant 0 : i32
      %cond3A_98 = arith.cmpi ne, %convert_element_type3A_96, %cond3A_97 : i32
      scf.if %cond3A_98 {
        %mul3A_169 = arith.constant 200 : i32
        %mul3A_170 = arith.muli %add3A_93, %mul3A_169 : i32
        %dma_start3A_171 = tpu.memref_slice %arg5[%mul3A_170] : memref<25600xi32, #tpu.memory_space<vmem>> -> memref<200xi32, #tpu.memory_space<vmem>>
        %dma_start3A_172 = arith.constant 0 : i32
        %dma_start3A_173 = arith.constant 0 : i32
        %dma_start3A_174 = tpu.memref_slice %arg3[%dma_start3A_172, %dma_start3A_173] : memref<1000000x64xf32, #tpu.memory_space<hbm>> -> memref<1000000x64xf32, #tpu.memory_space<hbm>>
        tpu.enqueue_indirect_dma source(%dma_start3A_174 : memref<1000000x64xf32, #tpu.memory_space<hbm>>) target(%arg7 : memref<200x64xf32, #tpu.memory_space<vmem>>) offsets(%dma_start3A_171 : memref<200xi32, #tpu.memory_space<vmem>>) semaphore(%arg11 : memref<!tpu.dma_semaphore, #tpu.memory_space<semaphore_mem>>)
      } else {
      }
      %add3A_99 = arith.constant 2 : i32
      %add3A_100 = arith.addi %add3A_32, %add3A_99 : i32
      %mul3A_101 = arith.constant 200 : i32
      %mul3A_102 = arith.muli %add3A_100, %mul3A_101 : i32
      %dma_wait3A_103 = tpu.memref_slice %arg5[%mul3A_102] : memref<25600xi32, #tpu.memory_space<vmem>> -> memref<200xi32, #tpu.memory_space<vmem>>
      %dma_wait3A_104 = arith.constant 0 : i32
      %dma_wait3A_105 = arith.constant 0 : i32
      %dma_wait3A_106 = tpu.memref_slice %arg3[%dma_wait3A_104, %dma_wait3A_105] : memref<1000000x64xf32, #tpu.memory_space<hbm>> -> memref<1000000x64xf32, #tpu.memory_space<hbm>>
      tpu.wait_indirect_dma semaphore(%arg12 : memref<!tpu.dma_semaphore, #tpu.memory_space<semaphore_mem>>) src(%dma_wait3A_106 : memref<1000000x64xf32, #tpu.memory_space<hbm>>) dst(%arg8 : memref<200x64xf32, #tpu.memory_space<vmem>>)
      %mul3A_107 = arith.constant 4 : i32
      %mul3A_108 = arith.muli %add3A_100, %mul3A_107 : i32
      %add3A_109 = arith.addi %mul3A_2, %mul3A_108 : i32
      %add3A_110 = arith.constant 0 : i32
      %add3A_111 = arith.addi %add3A_109, %add3A_110 : i32
      "tpu.region"() ({
        %run_scoped3A = tpu.sem_alloc : memref<!tpu.dma_semaphore, #tpu.memory_space<semaphore_mem>>
        %dma_start3A_169 = arith.constant 0 : i32
        %dma_start3A_170 = arith.constant 0 : i32
        %dma_start3A_171 = tpu.memref_slice %arg8[%dma_start3A_169, %dma_start3A_170] : memref<200x64xf32, #tpu.memory_space<vmem>> -> memref<50x64xf32, #tpu.memory_space<vmem>>
        %dma_start3A_172 = arith.constant 0 : i32
        %dma_start3A_173 = arith.constant 0 : i32
        %dma_start3A_174 = tpu.memref_slice %arg4[%add3A_111, %dma_start3A_172, %dma_start3A_173] : memref<16384x56x128xf32, #tpu.memory_space<hbm>> -> memref<1x50x64xf32, #tpu.memory_space<hbm>>
        %dma_start3A_175 = tpu.memref_squeeze %dma_start3A_174 : memref<1x50x64xf32, #tpu.memory_space<hbm>> -> memref<50x64xf32, #tpu.memory_space<hbm>>
        %dma_start3A_176 = arith.constant 0 : i32
        %dma_start3A_177 = arith.constant 0 : i32
        %dma_start3A_178 = tpu.memref_slice %arg4[%add3A_111, %dma_start3A_176, %dma_start3A_177] : memref<16384x56x128xf32, #tpu.memory_space<hbm>> -> memref<1x50x64xf32, #tpu.memory_space<hbm>>
        %dma_start3A_179 = tpu.memref_squeeze %dma_start3A_178 : memref<1x50x64xf32, #tpu.memory_space<hbm>> -> memref<50x64xf32, #tpu.memory_space<hbm>>
        %dma_start3A_180 = arith.constant 0 : i32
        %dma_start3A_181 = arith.constant 0 : i32
        %dma_start3A_182 = tpu.memref_slice %arg8[%dma_start3A_180, %dma_start3A_181] : memref<200x64xf32, #tpu.memory_space<vmem>> -> memref<50x64xf32, #tpu.memory_space<vmem>>
        tpu.enqueue_dma source(%dma_start3A_182 : memref<50x64xf32, #tpu.memory_space<vmem>>) target(%dma_start3A_179 : memref<50x64xf32, #tpu.memory_space<hbm>>) target_semaphore(%run_scoped3A : memref<!tpu.dma_semaphore, #tpu.memory_space<semaphore_mem>>)
        %dma_wait3A_183 = arith.constant 0 : i32
        %dma_wait3A_184 = arith.constant 0 : i32
        %dma_wait3A_185 = tpu.memref_slice %arg8[%dma_wait3A_183, %dma_wait3A_184] : memref<200x64xf32, #tpu.memory_space<vmem>> -> memref<50x64xf32, #tpu.memory_space<vmem>>
        %dma_wait3A_186 = arith.constant 0 : i32
        %dma_wait3A_187 = arith.constant 0 : i32
        %dma_wait3A_188 = tpu.memref_slice %arg4[%add3A_111, %dma_wait3A_186, %dma_wait3A_187] : memref<16384x56x128xf32, #tpu.memory_space<hbm>> -> memref<1x50x64xf32, #tpu.memory_space<hbm>>
        %dma_wait3A_189 = tpu.memref_squeeze %dma_wait3A_188 : memref<1x50x64xf32, #tpu.memory_space<hbm>> -> memref<50x64xf32, #tpu.memory_space<hbm>>
        %dma_wait3A_190 = arith.constant 0 : i32
        %dma_wait3A_191 = arith.constant 0 : i32
        %dma_wait3A_192 = tpu.memref_slice %arg4[%add3A_111, %dma_wait3A_190, %dma_wait3A_191] : memref<16384x56x128xf32, #tpu.memory_space<hbm>> -> memref<1x50x64xf32, #tpu.memory_space<hbm>>
        %dma_wait3A_193 = tpu.memref_squeeze %dma_wait3A_192 : memref<1x50x64xf32, #tpu.memory_space<hbm>> -> memref<50x64xf32, #tpu.memory_space<hbm>>
        %dma_wait3A_194 = arith.constant 0 : i32
        %dma_wait3A_195 = arith.constant 0 : i32
        %dma_wait3A_196 = tpu.memref_slice %arg8[%dma_wait3A_194, %dma_wait3A_195] : memref<200x64xf32, #tpu.memory_space<vmem>> -> memref<50x64xf32, #tpu.memory_space<vmem>>
        tpu.wait_dma2 semaphore(%run_scoped3A : memref<!tpu.dma_semaphore, #tpu.memory_space<semaphore_mem>>) src(%dma_wait3A_196 : memref<50x64xf32, #tpu.memory_space<vmem>>) dst(%dma_wait3A_193 : memref<50x64xf32, #tpu.memory_space<hbm>>)
        tpu.yield
      }) : () -> ()
      %mul3A_112 = arith.constant 4 : i32
      %mul3A_113 = arith.muli %add3A_100, %mul3A_112 : i32
      %add3A_114 = arith.addi %mul3A_2, %mul3A_113 : i32
      %add3A_115 = arith.constant 1 : i32
      %add3A_116 = arith.addi %add3A_114, %add3A_115 : i32
      "tpu.region"() ({
        %run_scoped3A = tpu.sem_alloc : memref<!tpu.dma_semaphore, #tpu.memory_space<semaphore_mem>>
        %dma_start3A_169 = arith.constant 50 : i32
        %dma_start3A_170 = arith.constant 0 : i32
        %dma_start3A_171 = tpu.memref_slice %arg8[%dma_start3A_169, %dma_start3A_170] : memref<200x64xf32, #tpu.memory_space<vmem>> -> memref<50x64xf32, #tpu.memory_space<vmem>>
        %dma_start3A_172 = arith.constant 0 : i32
        %dma_start3A_173 = arith.constant 0 : i32
        %dma_start3A_174 = tpu.memref_slice %arg4[%add3A_116, %dma_start3A_172, %dma_start3A_173] : memref<16384x56x128xf32, #tpu.memory_space<hbm>> -> memref<1x50x64xf32, #tpu.memory_space<hbm>>
        %dma_start3A_175 = tpu.memref_squeeze %dma_start3A_174 : memref<1x50x64xf32, #tpu.memory_space<hbm>> -> memref<50x64xf32, #tpu.memory_space<hbm>>
        %dma_start3A_176 = arith.constant 0 : i32
        %dma_start3A_177 = arith.constant 0 : i32
        %dma_start3A_178 = tpu.memref_slice %arg4[%add3A_116, %dma_start3A_176, %dma_start3A_177] : memref<16384x56x128xf32, #tpu.memory_space<hbm>> -> memref<1x50x64xf32, #tpu.memory_space<hbm>>
        %dma_start3A_179 = tpu.memref_squeeze %dma_start3A_178 : memref<1x50x64xf32, #tpu.memory_space<hbm>> -> memref<50x64xf32, #tpu.memory_space<hbm>>
        %dma_start3A_180 = arith.constant 50 : i32
        %dma_start3A_181 = arith.constant 0 : i32
        %dma_start3A_182 = tpu.memref_slice %arg8[%dma_start3A_180, %dma_start3A_181] : memref<200x64xf32, #tpu.memory_space<vmem>> -> memref<50x64xf32, #tpu.memory_space<vmem>>
        tpu.enqueue_dma source(%dma_start3A_182 : memref<50x64xf32, #tpu.memory_space<vmem>>) target(%dma_start3A_179 : memref<50x64xf32, #tpu.memory_space<hbm>>) target_semaphore(%run_scoped3A : memref<!tpu.dma_semaphore, #tpu.memory_space<semaphore_mem>>)
        %dma_wait3A_183 = arith.constant 50 : i32
        %dma_wait3A_184 = arith.constant 0 : i32
        %dma_wait3A_185 = tpu.memref_slice %arg8[%dma_wait3A_183, %dma_wait3A_184] : memref<200x64xf32, #tpu.memory_space<vmem>> -> memref<50x64xf32, #tpu.memory_space<vmem>>
        %dma_wait3A_186 = arith.constant 0 : i32
        %dma_wait3A_187 = arith.constant 0 : i32
        %dma_wait3A_188 = tpu.memref_slice %arg4[%add3A_116, %dma_wait3A_186, %dma_wait3A_187] : memref<16384x56x128xf32, #tpu.memory_space<hbm>> -> memref<1x50x64xf32, #tpu.memory_space<hbm>>
        %dma_wait3A_189 = tpu.memref_squeeze %dma_wait3A_188 : memref<1x50x64xf32, #tpu.memory_space<hbm>> -> memref<50x64xf32, #tpu.memory_space<hbm>>
        %dma_wait3A_190 = arith.constant 0 : i32
        %dma_wait3A_191 = arith.constant 0 : i32
        %dma_wait3A_192 = tpu.memref_slice %arg4[%add3A_116, %dma_wait3A_190, %dma_wait3A_191] : memref<16384x56x128xf32, #tpu.memory_space<hbm>> -> memref<1x50x64xf32, #tpu.memory_space<hbm>>
        %dma_wait3A_193 = tpu.memref_squeeze %dma_wait3A_192 : memref<1x50x64xf32, #tpu.memory_space<hbm>> -> memref<50x64xf32, #tpu.memory_space<hbm>>
        %dma_wait3A_194 = arith.constant 50 : i32
        %dma_wait3A_195 = arith.constant 0 : i32
        %dma_wait3A_196 = tpu.memref_slice %arg8[%dma_wait3A_194, %dma_wait3A_195] : memref<200x64xf32, #tpu.memory_space<vmem>> -> memref<50x64xf32, #tpu.memory_space<vmem>>
        tpu.wait_dma2 semaphore(%run_scoped3A : memref<!tpu.dma_semaphore, #tpu.memory_space<semaphore_mem>>) src(%dma_wait3A_196 : memref<50x64xf32, #tpu.memory_space<vmem>>) dst(%dma_wait3A_193 : memref<50x64xf32, #tpu.memory_space<hbm>>)
        tpu.yield
      }) : () -> ()
      %mul3A_117 = arith.constant 4 : i32
      %mul3A_118 = arith.muli %add3A_100, %mul3A_117 : i32
      %add3A_119 = arith.addi %mul3A_2, %mul3A_118 : i32
      %add3A_120 = arith.constant 2 : i32
      %add3A_121 = arith.addi %add3A_119, %add3A_120 : i32
      "tpu.region"() ({
        %run_scoped3A = tpu.sem_alloc : memref<!tpu.dma_semaphore, #tpu.memory_space<semaphore_mem>>
        %dma_start3A_169 = arith.constant 100 : i32
        %dma_start3A_170 = arith.constant 0 : i32
        %dma_start3A_171 = tpu.memref_slice %arg8[%dma_start3A_169, %dma_start3A_170] : memref<200x64xf32, #tpu.memory_space<vmem>> -> memref<50x64xf32, #tpu.memory_space<vmem>>
        %dma_start3A_172 = arith.constant 0 : i32
        %dma_start3A_173 = arith.constant 0 : i32
        %dma_start3A_174 = tpu.memref_slice %arg4[%add3A_121, %dma_start3A_172, %dma_start3A_173] : memref<16384x56x128xf32, #tpu.memory_space<hbm>> -> memref<1x50x64xf32, #tpu.memory_space<hbm>>
        %dma_start3A_175 = tpu.memref_squeeze %dma_start3A_174 : memref<1x50x64xf32, #tpu.memory_space<hbm>> -> memref<50x64xf32, #tpu.memory_space<hbm>>
        %dma_start3A_176 = arith.constant 0 : i32
        %dma_start3A_177 = arith.constant 0 : i32
        %dma_start3A_178 = tpu.memref_slice %arg4[%add3A_121, %dma_start3A_176, %dma_start3A_177] : memref<16384x56x128xf32, #tpu.memory_space<hbm>> -> memref<1x50x64xf32, #tpu.memory_space<hbm>>
        %dma_start3A_179 = tpu.memref_squeeze %dma_start3A_178 : memref<1x50x64xf32, #tpu.memory_space<hbm>> -> memref<50x64xf32, #tpu.memory_space<hbm>>
        %dma_start3A_180 = arith.constant 100 : i32
        %dma_start3A_181 = arith.constant 0 : i32
        %dma_start3A_182 = tpu.memref_slice %arg8[%dma_start3A_180, %dma_start3A_181] : memref<200x64xf32, #tpu.memory_space<vmem>> -> memref<50x64xf32, #tpu.memory_space<vmem>>
        tpu.enqueue_dma source(%dma_start3A_182 : memref<50x64xf32, #tpu.memory_space<vmem>>) target(%dma_start3A_179 : memref<50x64xf32, #tpu.memory_space<hbm>>) target_semaphore(%run_scoped3A : memref<!tpu.dma_semaphore, #tpu.memory_space<semaphore_mem>>)
        %dma_wait3A_183 = arith.constant 100 : i32
        %dma_wait3A_184 = arith.constant 0 : i32
        %dma_wait3A_185 = tpu.memref_slice %arg8[%dma_wait3A_183, %dma_wait3A_184] : memref<200x64xf32, #tpu.memory_space<vmem>> -> memref<50x64xf32, #tpu.memory_space<vmem>>
        %dma_wait3A_186 = arith.constant 0 : i32
        %dma_wait3A_187 = arith.constant 0 : i32
        %dma_wait3A_188 = tpu.memref_slice %arg4[%add3A_121, %dma_wait3A_186, %dma_wait3A_187] : memref<16384x56x128xf32, #tpu.memory_space<hbm>> -> memref<1x50x64xf32, #tpu.memory_space<hbm>>
        %dma_wait3A_189 = tpu.memref_squeeze %dma_wait3A_188 : memref<1x50x64xf32, #tpu.memory_space<hbm>> -> memref<50x64xf32, #tpu.memory_space<hbm>>
        %dma_wait3A_190 = arith.constant 0 : i32
        %dma_wait3A_191 = arith.constant 0 : i32
        %dma_wait3A_192 = tpu.memref_slice %arg4[%add3A_121, %dma_wait3A_190, %dma_wait3A_191] : memref<16384x56x128xf32, #tpu.memory_space<hbm>> -> memref<1x50x64xf32, #tpu.memory_space<hbm>>
        %dma_wait3A_193 = tpu.memref_squeeze %dma_wait3A_192 : memref<1x50x64xf32, #tpu.memory_space<hbm>> -> memref<50x64xf32, #tpu.memory_space<hbm>>
        %dma_wait3A_194 = arith.constant 100 : i32
        %dma_wait3A_195 = arith.constant 0 : i32
        %dma_wait3A_196 = tpu.memref_slice %arg8[%dma_wait3A_194, %dma_wait3A_195] : memref<200x64xf32, #tpu.memory_space<vmem>> -> memref<50x64xf32, #tpu.memory_space<vmem>>
        tpu.wait_dma2 semaphore(%run_scoped3A : memref<!tpu.dma_semaphore, #tpu.memory_space<semaphore_mem>>) src(%dma_wait3A_196 : memref<50x64xf32, #tpu.memory_space<vmem>>) dst(%dma_wait3A_193 : memref<50x64xf32, #tpu.memory_space<hbm>>)
        tpu.yield
      }) : () -> ()
      %mul3A_122 = arith.constant 4 : i32
      %mul3A_123 = arith.muli %add3A_100, %mul3A_122 : i32
      %add3A_124 = arith.addi %mul3A_2, %mul3A_123 : i32
      %add3A_125 = arith.constant 3 : i32
      %add3A_126 = arith.addi %add3A_124, %add3A_125 : i32
      "tpu.region"() ({
        %run_scoped3A = tpu.sem_alloc : memref<!tpu.dma_semaphore, #tpu.memory_space<semaphore_mem>>
        %dma_start3A_169 = arith.constant 150 : i32
        %dma_start3A_170 = arith.constant 0 : i32
        %dma_start3A_171 = tpu.memref_slice %arg8[%dma_start3A_169, %dma_start3A_170] : memref<200x64xf32, #tpu.memory_space<vmem>> -> memref<50x64xf32, #tpu.memory_space<vmem>>
        %dma_start3A_172 = arith.constant 0 : i32
        %dma_start3A_173 = arith.constant 0 : i32
        %dma_start3A_174 = tpu.memref_slice %arg4[%add3A_126, %dma_start3A_172, %dma_start3A_173] : memref<16384x56x128xf32, #tpu.memory_space<hbm>> -> memref<1x50x64xf32, #tpu.memory_space<hbm>>
        %dma_start3A_175 = tpu.memref_squeeze %dma_start3A_174 : memref<1x50x64xf32, #tpu.memory_space<hbm>> -> memref<50x64xf32, #tpu.memory_space<hbm>>
        %dma_start3A_176 = arith.constant 0 : i32
        %dma_start3A_177 = arith.constant 0 : i32
        %dma_start3A_178 = tpu.memref_slice %arg4[%add3A_126, %dma_start3A_176, %dma_start3A_177] : memref<16384x56x128xf32, #tpu.memory_space<hbm>> -> memref<1x50x64xf32, #tpu.memory_space<hbm>>
        %dma_start3A_179 = tpu.memref_squeeze %dma_start3A_178 : memref<1x50x64xf32, #tpu.memory_space<hbm>> -> memref<50x64xf32, #tpu.memory_space<hbm>>
        %dma_start3A_180 = arith.constant 150 : i32
        %dma_start3A_181 = arith.constant 0 : i32
        %dma_start3A_182 = tpu.memref_slice %arg8[%dma_start3A_180, %dma_start3A_181] : memref<200x64xf32, #tpu.memory_space<vmem>> -> memref<50x64xf32, #tpu.memory_space<vmem>>
        tpu.enqueue_dma source(%dma_start3A_182 : memref<50x64xf32, #tpu.memory_space<vmem>>) target(%dma_start3A_179 : memref<50x64xf32, #tpu.memory_space<hbm>>) target_semaphore(%run_scoped3A : memref<!tpu.dma_semaphore, #tpu.memory_space<semaphore_mem>>)
        %dma_wait3A_183 = arith.constant 150 : i32
        %dma_wait3A_184 = arith.constant 0 : i32
        %dma_wait3A_185 = tpu.memref_slice %arg8[%dma_wait3A_183, %dma_wait3A_184] : memref<200x64xf32, #tpu.memory_space<vmem>> -> memref<50x64xf32, #tpu.memory_space<vmem>>
        %dma_wait3A_186 = arith.constant 0 : i32
        %dma_wait3A_187 = arith.constant 0 : i32
        %dma_wait3A_188 = tpu.memref_slice %arg4[%add3A_126, %dma_wait3A_186, %dma_wait3A_187] : memref<16384x56x128xf32, #tpu.memory_space<hbm>> -> memref<1x50x64xf32, #tpu.memory_space<hbm>>
        %dma_wait3A_189 = tpu.memref_squeeze %dma_wait3A_188 : memref<1x50x64xf32, #tpu.memory_space<hbm>> -> memref<50x64xf32, #tpu.memory_space<hbm>>
        %dma_wait3A_190 = arith.constant 0 : i32
        %dma_wait3A_191 = arith.constant 0 : i32
        %dma_wait3A_192 = tpu.memref_slice %arg4[%add3A_126, %dma_wait3A_190, %dma_wait3A_191] : memref<16384x56x128xf32, #tpu.memory_space<hbm>> -> memref<1x50x64xf32, #tpu.memory_space<hbm>>
        %dma_wait3A_193 = tpu.memref_squeeze %dma_wait3A_192 : memref<1x50x64xf32, #tpu.memory_space<hbm>> -> memref<50x64xf32, #tpu.memory_space<hbm>>
        %dma_wait3A_194 = arith.constant 150 : i32
        %dma_wait3A_195 = arith.constant 0 : i32
        %dma_wait3A_196 = tpu.memref_slice %arg8[%dma_wait3A_194, %dma_wait3A_195] : memref<200x64xf32, #tpu.memory_space<vmem>> -> memref<50x64xf32, #tpu.memory_space<vmem>>
        tpu.wait_dma2 semaphore(%run_scoped3A : memref<!tpu.dma_semaphore, #tpu.memory_space<semaphore_mem>>) src(%dma_wait3A_196 : memref<50x64xf32, #tpu.memory_space<vmem>>) dst(%dma_wait3A_193 : memref<50x64xf32, #tpu.memory_space<hbm>>)
        tpu.yield
      }) : () -> ()
      %add3A_127 = arith.constant 4 : i32
      %add3A_128 = arith.addi %add3A_100, %add3A_127 : i32
      %lt3A_129 = arith.constant 128 : i32
      %lt3A_130 = arith.cmpi slt, %add3A_128, %lt3A_129 : i32
      %convert_element_type3A_131 = arith.extui %lt3A_130 : i1 to i32
      %cond3A_132 = arith.constant 0 : i32
      %cond3A_133 = arith.cmpi ne, %convert_element_type3A_131, %cond3A_132 : i32
      scf.if %cond3A_133 {
        %mul3A_169 = arith.constant 200 : i32
        %mul3A_170 = arith.muli %add3A_128, %mul3A_169 : i32
        %dma_start3A_171 = tpu.memref_slice %arg5[%mul3A_170] : memref<25600xi32, #tpu.memory_space<vmem>> -> memref<200xi32, #tpu.memory_space<vmem>>
        %dma_start3A_172 = arith.constant 0 : i32
        %dma_start3A_173 = arith.constant 0 : i32
        %dma_start3A_174 = tpu.memref_slice %arg3[%dma_start3A_172, %dma_start3A_173] : memref<1000000x64xf32, #tpu.memory_space<hbm>> -> memref<1000000x64xf32, #tpu.memory_space<hbm>>
        tpu.enqueue_indirect_dma source(%dma_start3A_174 : memref<1000000x64xf32, #tpu.memory_space<hbm>>) target(%arg8 : memref<200x64xf32, #tpu.memory_space<vmem>>) offsets(%dma_start3A_171 : memref<200xi32, #tpu.memory_space<vmem>>) semaphore(%arg12 : memref<!tpu.dma_semaphore, #tpu.memory_space<semaphore_mem>>)
      } else {
      }
      %add3A_134 = arith.constant 3 : i32
      %add3A_135 = arith.addi %add3A_32, %add3A_134 : i32
      %mul3A_136 = arith.constant 200 : i32
      %mul3A_137 = arith.muli %add3A_135, %mul3A_136 : i32
      %dma_wait3A_138 = tpu.memref_slice %arg5[%mul3A_137] : memref<25600xi32, #tpu.memory_space<vmem>> -> memref<200xi32, #tpu.memory_space<vmem>>
      %dma_wait3A_139 = arith.constant 0 : i32
      %dma_wait3A_140 = arith.constant 0 : i32
      %dma_wait3A_141 = tpu.memref_slice %arg3[%dma_wait3A_139, %dma_wait3A_140] : memref<1000000x64xf32, #tpu.memory_space<hbm>> -> memref<1000000x64xf32, #tpu.memory_space<hbm>>
      tpu.wait_indirect_dma semaphore(%arg13 : memref<!tpu.dma_semaphore, #tpu.memory_space<semaphore_mem>>) src(%dma_wait3A_141 : memref<1000000x64xf32, #tpu.memory_space<hbm>>) dst(%arg9 : memref<200x64xf32, #tpu.memory_space<vmem>>)
      %mul3A_142 = arith.constant 4 : i32
      %mul3A_143 = arith.muli %add3A_135, %mul3A_142 : i32
      %add3A_144 = arith.addi %mul3A_2, %mul3A_143 : i32
      %add3A_145 = arith.constant 0 : i32
      %add3A_146 = arith.addi %add3A_144, %add3A_145 : i32
      "tpu.region"() ({
        %run_scoped3A = tpu.sem_alloc : memref<!tpu.dma_semaphore, #tpu.memory_space<semaphore_mem>>
        %dma_start3A_169 = arith.constant 0 : i32
        %dma_start3A_170 = arith.constant 0 : i32
        %dma_start3A_171 = tpu.memref_slice %arg9[%dma_start3A_169, %dma_start3A_170] : memref<200x64xf32, #tpu.memory_space<vmem>> -> memref<50x64xf32, #tpu.memory_space<vmem>>
        %dma_start3A_172 = arith.constant 0 : i32
        %dma_start3A_173 = arith.constant 0 : i32
        %dma_start3A_174 = tpu.memref_slice %arg4[%add3A_146, %dma_start3A_172, %dma_start3A_173] : memref<16384x56x128xf32, #tpu.memory_space<hbm>> -> memref<1x50x64xf32, #tpu.memory_space<hbm>>
        %dma_start3A_175 = tpu.memref_squeeze %dma_start3A_174 : memref<1x50x64xf32, #tpu.memory_space<hbm>> -> memref<50x64xf32, #tpu.memory_space<hbm>>
        %dma_start3A_176 = arith.constant 0 : i32
        %dma_start3A_177 = arith.constant 0 : i32
        %dma_start3A_178 = tpu.memref_slice %arg4[%add3A_146, %dma_start3A_176, %dma_start3A_177] : memref<16384x56x128xf32, #tpu.memory_space<hbm>> -> memref<1x50x64xf32, #tpu.memory_space<hbm>>
        %dma_start3A_179 = tpu.memref_squeeze %dma_start3A_178 : memref<1x50x64xf32, #tpu.memory_space<hbm>> -> memref<50x64xf32, #tpu.memory_space<hbm>>
        %dma_start3A_180 = arith.constant 0 : i32
        %dma_start3A_181 = arith.constant 0 : i32
        %dma_start3A_182 = tpu.memref_slice %arg9[%dma_start3A_180, %dma_start3A_181] : memref<200x64xf32, #tpu.memory_space<vmem>> -> memref<50x64xf32, #tpu.memory_space<vmem>>
        tpu.enqueue_dma source(%dma_start3A_182 : memref<50x64xf32, #tpu.memory_space<vmem>>) target(%dma_start3A_179 : memref<50x64xf32, #tpu.memory_space<hbm>>) target_semaphore(%run_scoped3A : memref<!tpu.dma_semaphore, #tpu.memory_space<semaphore_mem>>)
        %dma_wait3A_183 = arith.constant 0 : i32
        %dma_wait3A_184 = arith.constant 0 : i32
        %dma_wait3A_185 = tpu.memref_slice %arg9[%dma_wait3A_183, %dma_wait3A_184] : memref<200x64xf32, #tpu.memory_space<vmem>> -> memref<50x64xf32, #tpu.memory_space<vmem>>
        %dma_wait3A_186 = arith.constant 0 : i32
        %dma_wait3A_187 = arith.constant 0 : i32
        %dma_wait3A_188 = tpu.memref_slice %arg4[%add3A_146, %dma_wait3A_186, %dma_wait3A_187] : memref<16384x56x128xf32, #tpu.memory_space<hbm>> -> memref<1x50x64xf32, #tpu.memory_space<hbm>>
        %dma_wait3A_189 = tpu.memref_squeeze %dma_wait3A_188 : memref<1x50x64xf32, #tpu.memory_space<hbm>> -> memref<50x64xf32, #tpu.memory_space<hbm>>
        %dma_wait3A_190 = arith.constant 0 : i32
        %dma_wait3A_191 = arith.constant 0 : i32
        %dma_wait3A_192 = tpu.memref_slice %arg4[%add3A_146, %dma_wait3A_190, %dma_wait3A_191] : memref<16384x56x128xf32, #tpu.memory_space<hbm>> -> memref<1x50x64xf32, #tpu.memory_space<hbm>>
        %dma_wait3A_193 = tpu.memref_squeeze %dma_wait3A_192 : memref<1x50x64xf32, #tpu.memory_space<hbm>> -> memref<50x64xf32, #tpu.memory_space<hbm>>
        %dma_wait3A_194 = arith.constant 0 : i32
        %dma_wait3A_195 = arith.constant 0 : i32
        %dma_wait3A_196 = tpu.memref_slice %arg9[%dma_wait3A_194, %dma_wait3A_195] : memref<200x64xf32, #tpu.memory_space<vmem>> -> memref<50x64xf32, #tpu.memory_space<vmem>>
        tpu.wait_dma2 semaphore(%run_scoped3A : memref<!tpu.dma_semaphore, #tpu.memory_space<semaphore_mem>>) src(%dma_wait3A_196 : memref<50x64xf32, #tpu.memory_space<vmem>>) dst(%dma_wait3A_193 : memref<50x64xf32, #tpu.memory_space<hbm>>)
        tpu.yield
      }) : () -> ()
      %mul3A_147 = arith.constant 4 : i32
      %mul3A_148 = arith.muli %add3A_135, %mul3A_147 : i32
      %add3A_149 = arith.addi %mul3A_2, %mul3A_148 : i32
      %add3A_150 = arith.constant 1 : i32
      %add3A_151 = arith.addi %add3A_149, %add3A_150 : i32
      "tpu.region"() ({
        %run_scoped3A = tpu.sem_alloc : memref<!tpu.dma_semaphore, #tpu.memory_space<semaphore_mem>>
        %dma_start3A_169 = arith.constant 50 : i32
        %dma_start3A_170 = arith.constant 0 : i32
        %dma_start3A_171 = tpu.memref_slice %arg9[%dma_start3A_169, %dma_start3A_170] : memref<200x64xf32, #tpu.memory_space<vmem>> -> memref<50x64xf32, #tpu.memory_space<vmem>>
        %dma_start3A_172 = arith.constant 0 : i32
        %dma_start3A_173 = arith.constant 0 : i32
        %dma_start3A_174 = tpu.memref_slice %arg4[%add3A_151, %dma_start3A_172, %dma_start3A_173] : memref<16384x56x128xf32, #tpu.memory_space<hbm>> -> memref<1x50x64xf32, #tpu.memory_space<hbm>>
        %dma_start3A_175 = tpu.memref_squeeze %dma_start3A_174 : memref<1x50x64xf32, #tpu.memory_space<hbm>> -> memref<50x64xf32, #tpu.memory_space<hbm>>
        %dma_start3A_176 = arith.constant 0 : i32
        %dma_start3A_177 = arith.constant 0 : i32
        %dma_start3A_178 = tpu.memref_slice %arg4[%add3A_151, %dma_start3A_176, %dma_start3A_177] : memref<16384x56x128xf32, #tpu.memory_space<hbm>> -> memref<1x50x64xf32, #tpu.memory_space<hbm>>
        %dma_start3A_179 = tpu.memref_squeeze %dma_start3A_178 : memref<1x50x64xf32, #tpu.memory_space<hbm>> -> memref<50x64xf32, #tpu.memory_space<hbm>>
        %dma_start3A_180 = arith.constant 50 : i32
        %dma_start3A_181 = arith.constant 0 : i32
        %dma_start3A_182 = tpu.memref_slice %arg9[%dma_start3A_180, %dma_start3A_181] : memref<200x64xf32, #tpu.memory_space<vmem>> -> memref<50x64xf32, #tpu.memory_space<vmem>>
        tpu.enqueue_dma source(%dma_start3A_182 : memref<50x64xf32, #tpu.memory_space<vmem>>) target(%dma_start3A_179 : memref<50x64xf32, #tpu.memory_space<hbm>>) target_semaphore(%run_scoped3A : memref<!tpu.dma_semaphore, #tpu.memory_space<semaphore_mem>>)
        %dma_wait3A_183 = arith.constant 50 : i32
        %dma_wait3A_184 = arith.constant 0 : i32
        %dma_wait3A_185 = tpu.memref_slice %arg9[%dma_wait3A_183, %dma_wait3A_184] : memref<200x64xf32, #tpu.memory_space<vmem>> -> memref<50x64xf32, #tpu.memory_space<vmem>>
        %dma_wait3A_186 = arith.constant 0 : i32
        %dma_wait3A_187 = arith.constant 0 : i32
        %dma_wait3A_188 = tpu.memref_slice %arg4[%add3A_151, %dma_wait3A_186, %dma_wait3A_187] : memref<16384x56x128xf32, #tpu.memory_space<hbm>> -> memref<1x50x64xf32, #tpu.memory_space<hbm>>
        %dma_wait3A_189 = tpu.memref_squeeze %dma_wait3A_188 : memref<1x50x64xf32, #tpu.memory_space<hbm>> -> memref<50x64xf32, #tpu.memory_space<hbm>>
        %dma_wait3A_190 = arith.constant 0 : i32
        %dma_wait3A_191 = arith.constant 0 : i32
        %dma_wait3A_192 = tpu.memref_slice %arg4[%add3A_151, %dma_wait3A_190, %dma_wait3A_191] : memref<16384x56x128xf32, #tpu.memory_space<hbm>> -> memref<1x50x64xf32, #tpu.memory_space<hbm>>
        %dma_wait3A_193 = tpu.memref_squeeze %dma_wait3A_192 : memref<1x50x64xf32, #tpu.memory_space<hbm>> -> memref<50x64xf32, #tpu.memory_space<hbm>>
        %dma_wait3A_194 = arith.constant 50 : i32
        %dma_wait3A_195 = arith.constant 0 : i32
        %dma_wait3A_196 = tpu.memref_slice %arg9[%dma_wait3A_194, %dma_wait3A_195] : memref<200x64xf32, #tpu.memory_space<vmem>> -> memref<50x64xf32, #tpu.memory_space<vmem>>
        tpu.wait_dma2 semaphore(%run_scoped3A : memref<!tpu.dma_semaphore, #tpu.memory_space<semaphore_mem>>) src(%dma_wait3A_196 : memref<50x64xf32, #tpu.memory_space<vmem>>) dst(%dma_wait3A_193 : memref<50x64xf32, #tpu.memory_space<hbm>>)
        tpu.yield
      }) : () -> ()
      %mul3A_152 = arith.constant 4 : i32
      %mul3A_153 = arith.muli %add3A_135, %mul3A_152 : i32
      %add3A_154 = arith.addi %mul3A_2, %mul3A_153 : i32
      %add3A_155 = arith.constant 2 : i32
      %add3A_156 = arith.addi %add3A_154, %add3A_155 : i32
      "tpu.region"() ({
        %run_scoped3A = tpu.sem_alloc : memref<!tpu.dma_semaphore, #tpu.memory_space<semaphore_mem>>
        %dma_start3A_169 = arith.constant 100 : i32
        %dma_start3A_170 = arith.constant 0 : i32
        %dma_start3A_171 = tpu.memref_slice %arg9[%dma_start3A_169, %dma_start3A_170] : memref<200x64xf32, #tpu.memory_space<vmem>> -> memref<50x64xf32, #tpu.memory_space<vmem>>
        %dma_start3A_172 = arith.constant 0 : i32
        %dma_start3A_173 = arith.constant 0 : i32
        %dma_start3A_174 = tpu.memref_slice %arg4[%add3A_156, %dma_start3A_172, %dma_start3A_173] : memref<16384x56x128xf32, #tpu.memory_space<hbm>> -> memref<1x50x64xf32, #tpu.memory_space<hbm>>
        %dma_start3A_175 = tpu.memref_squeeze %dma_start3A_174 : memref<1x50x64xf32, #tpu.memory_space<hbm>> -> memref<50x64xf32, #tpu.memory_space<hbm>>
        %dma_start3A_176 = arith.constant 0 : i32
        %dma_start3A_177 = arith.constant 0 : i32
        %dma_start3A_178 = tpu.memref_slice %arg4[%add3A_156, %dma_start3A_176, %dma_start3A_177] : memref<16384x56x128xf32, #tpu.memory_space<hbm>> -> memref<1x50x64xf32, #tpu.memory_space<hbm>>
        %dma_start3A_179 = tpu.memref_squeeze %dma_start3A_178 : memref<1x50x64xf32, #tpu.memory_space<hbm>> -> memref<50x64xf32, #tpu.memory_space<hbm>>
        %dma_start3A_180 = arith.constant 100 : i32
        %dma_start3A_181 = arith.constant 0 : i32
        %dma_start3A_182 = tpu.memref_slice %arg9[%dma_start3A_180, %dma_start3A_181] : memref<200x64xf32, #tpu.memory_space<vmem>> -> memref<50x64xf32, #tpu.memory_space<vmem>>
        tpu.enqueue_dma source(%dma_start3A_182 : memref<50x64xf32, #tpu.memory_space<vmem>>) target(%dma_start3A_179 : memref<50x64xf32, #tpu.memory_space<hbm>>) target_semaphore(%run_scoped3A : memref<!tpu.dma_semaphore, #tpu.memory_space<semaphore_mem>>)
        %dma_wait3A_183 = arith.constant 100 : i32
        %dma_wait3A_184 = arith.constant 0 : i32
        %dma_wait3A_185 = tpu.memref_slice %arg9[%dma_wait3A_183, %dma_wait3A_184] : memref<200x64xf32, #tpu.memory_space<vmem>> -> memref<50x64xf32, #tpu.memory_space<vmem>>
        %dma_wait3A_186 = arith.constant 0 : i32
        %dma_wait3A_187 = arith.constant 0 : i32
        %dma_wait3A_188 = tpu.memref_slice %arg4[%add3A_156, %dma_wait3A_186, %dma_wait3A_187] : memref<16384x56x128xf32, #tpu.memory_space<hbm>> -> memref<1x50x64xf32, #tpu.memory_space<hbm>>
        %dma_wait3A_189 = tpu.memref_squeeze %dma_wait3A_188 : memref<1x50x64xf32, #tpu.memory_space<hbm>> -> memref<50x64xf32, #tpu.memory_space<hbm>>
        %dma_wait3A_190 = arith.constant 0 : i32
        %dma_wait3A_191 = arith.constant 0 : i32
        %dma_wait3A_192 = tpu.memref_slice %arg4[%add3A_156, %dma_wait3A_190, %dma_wait3A_191] : memref<16384x56x128xf32, #tpu.memory_space<hbm>> -> memref<1x50x64xf32, #tpu.memory_space<hbm>>
        %dma_wait3A_193 = tpu.memref_squeeze %dma_wait3A_192 : memref<1x50x64xf32, #tpu.memory_space<hbm>> -> memref<50x64xf32, #tpu.memory_space<hbm>>
        %dma_wait3A_194 = arith.constant 100 : i32
        %dma_wait3A_195 = arith.constant 0 : i32
        %dma_wait3A_196 = tpu.memref_slice %arg9[%dma_wait3A_194, %dma_wait3A_195] : memref<200x64xf32, #tpu.memory_space<vmem>> -> memref<50x64xf32, #tpu.memory_space<vmem>>
        tpu.wait_dma2 semaphore(%run_scoped3A : memref<!tpu.dma_semaphore, #tpu.memory_space<semaphore_mem>>) src(%dma_wait3A_196 : memref<50x64xf32, #tpu.memory_space<vmem>>) dst(%dma_wait3A_193 : memref<50x64xf32, #tpu.memory_space<hbm>>)
        tpu.yield
      }) : () -> ()
      %mul3A_157 = arith.constant 4 : i32
      %mul3A_158 = arith.muli %add3A_135, %mul3A_157 : i32
      %add3A_159 = arith.addi %mul3A_2, %mul3A_158 : i32
      %add3A_160 = arith.constant 3 : i32
      %add3A_161 = arith.addi %add3A_159, %add3A_160 : i32
      "tpu.region"() ({
        %run_scoped3A = tpu.sem_alloc : memref<!tpu.dma_semaphore, #tpu.memory_space<semaphore_mem>>
        %dma_start3A_169 = arith.constant 150 : i32
        %dma_start3A_170 = arith.constant 0 : i32
        %dma_start3A_171 = tpu.memref_slice %arg9[%dma_start3A_169, %dma_start3A_170] : memref<200x64xf32, #tpu.memory_space<vmem>> -> memref<50x64xf32, #tpu.memory_space<vmem>>
        %dma_start3A_172 = arith.constant 0 : i32
        %dma_start3A_173 = arith.constant 0 : i32
        %dma_start3A_174 = tpu.memref_slice %arg4[%add3A_161, %dma_start3A_172, %dma_start3A_173] : memref<16384x56x128xf32, #tpu.memory_space<hbm>> -> memref<1x50x64xf32, #tpu.memory_space<hbm>>
        %dma_start3A_175 = tpu.memref_squeeze %dma_start3A_174 : memref<1x50x64xf32, #tpu.memory_space<hbm>> -> memref<50x64xf32, #tpu.memory_space<hbm>>
        %dma_start3A_176 = arith.constant 0 : i32
        %dma_start3A_177 = arith.constant 0 : i32
        %dma_start3A_178 = tpu.memref_slice %arg4[%add3A_161, %dma_start3A_176, %dma_start3A_177] : memref<16384x56x128xf32, #tpu.memory_space<hbm>> -> memref<1x50x64xf32, #tpu.memory_space<hbm>>
        %dma_start3A_179 = tpu.memref_squeeze %dma_start3A_178 : memref<1x50x64xf32, #tpu.memory_space<hbm>> -> memref<50x64xf32, #tpu.memory_space<hbm>>
        %dma_start3A_180 = arith.constant 150 : i32
        %dma_start3A_181 = arith.constant 0 : i32
        %dma_start3A_182 = tpu.memref_slice %arg9[%dma_start3A_180, %dma_start3A_181] : memref<200x64xf32, #tpu.memory_space<vmem>> -> memref<50x64xf32, #tpu.memory_space<vmem>>
        tpu.enqueue_dma source(%dma_start3A_182 : memref<50x64xf32, #tpu.memory_space<vmem>>) target(%dma_start3A_179 : memref<50x64xf32, #tpu.memory_space<hbm>>) target_semaphore(%run_scoped3A : memref<!tpu.dma_semaphore, #tpu.memory_space<semaphore_mem>>)
        %dma_wait3A_183 = arith.constant 150 : i32
        %dma_wait3A_184 = arith.constant 0 : i32
        %dma_wait3A_185 = tpu.memref_slice %arg9[%dma_wait3A_183, %dma_wait3A_184] : memref<200x64xf32, #tpu.memory_space<vmem>> -> memref<50x64xf32, #tpu.memory_space<vmem>>
        %dma_wait3A_186 = arith.constant 0 : i32
        %dma_wait3A_187 = arith.constant 0 : i32
        %dma_wait3A_188 = tpu.memref_slice %arg4[%add3A_161, %dma_wait3A_186, %dma_wait3A_187] : memref<16384x56x128xf32, #tpu.memory_space<hbm>> -> memref<1x50x64xf32, #tpu.memory_space<hbm>>
        %dma_wait3A_189 = tpu.memref_squeeze %dma_wait3A_188 : memref<1x50x64xf32, #tpu.memory_space<hbm>> -> memref<50x64xf32, #tpu.memory_space<hbm>>
        %dma_wait3A_190 = arith.constant 0 : i32
        %dma_wait3A_191 = arith.constant 0 : i32
        %dma_wait3A_192 = tpu.memref_slice %arg4[%add3A_161, %dma_wait3A_190, %dma_wait3A_191] : memref<16384x56x128xf32, #tpu.memory_space<hbm>> -> memref<1x50x64xf32, #tpu.memory_space<hbm>>
        %dma_wait3A_193 = tpu.memref_squeeze %dma_wait3A_192 : memref<1x50x64xf32, #tpu.memory_space<hbm>> -> memref<50x64xf32, #tpu.memory_space<hbm>>
        %dma_wait3A_194 = arith.constant 150 : i32
        %dma_wait3A_195 = arith.constant 0 : i32
        %dma_wait3A_196 = tpu.memref_slice %arg9[%dma_wait3A_194, %dma_wait3A_195] : memref<200x64xf32, #tpu.memory_space<vmem>> -> memref<50x64xf32, #tpu.memory_space<vmem>>
        tpu.wait_dma2 semaphore(%run_scoped3A : memref<!tpu.dma_semaphore, #tpu.memory_space<semaphore_mem>>) src(%dma_wait3A_196 : memref<50x64xf32, #tpu.memory_space<vmem>>) dst(%dma_wait3A_193 : memref<50x64xf32, #tpu.memory_space<hbm>>)
        tpu.yield
      }) : () -> ()
      %add3A_162 = arith.constant 4 : i32
      %add3A_163 = arith.addi %add3A_135, %add3A_162 : i32
      %lt3A_164 = arith.constant 128 : i32
      %lt3A_165 = arith.cmpi slt, %add3A_163, %lt3A_164 : i32
      %convert_element_type3A_166 = arith.extui %lt3A_165 : i1 to i32
      %cond3A_167 = arith.constant 0 : i32
      %cond3A_168 = arith.cmpi ne, %convert_element_type3A_166, %cond3A_167 : i32
      scf.if %cond3A_168 {
        %mul3A_169 = arith.constant 200 : i32
        %mul3A_170 = arith.muli %add3A_163, %mul3A_169 : i32
        %dma_start3A_171 = tpu.memref_slice %arg5[%mul3A_170] : memref<25600xi32, #tpu.memory_space<vmem>> -> memref<200xi32, #tpu.memory_space<vmem>>
        %dma_start3A_172 = arith.constant 0 : i32
        %dma_start3A_173 = arith.constant 0 : i32
        %dma_start3A_174 = tpu.memref_slice %arg3[%dma_start3A_172, %dma_start3A_173] : memref<1000000x64xf32, #tpu.memory_space<hbm>> -> memref<1000000x64xf32, #tpu.memory_space<hbm>>
        tpu.enqueue_indirect_dma source(%dma_start3A_174 : memref<1000000x64xf32, #tpu.memory_space<hbm>>) target(%arg9 : memref<200x64xf32, #tpu.memory_space<vmem>>) offsets(%dma_start3A_171 : memref<200xi32, #tpu.memory_space<vmem>>) semaphore(%arg13 : memref<!tpu.dma_semaphore, #tpu.memory_space<semaphore_mem>>)
      } else {
      }
    }
    %scan3A_27 = arith.constant 32 : i32
    return
  }
}

</mosaic_0001>

<sc_bundles>
// kernel: _gather.3.cloned.1.call-start
scs
__scs_entry_jumppad:
0x0: {  	(pc) =	sbr.rel $0x88, $3  }
0x1: {  	(tag) =	ssettag $0x0;
	lr =	simm.s32 $0x1  }
0x2: {  	[smem:$0x3F9F] =	sst lr;
	_ =	strace $0xD0000000  }
0x3: {  	_ = 	snop  }
0x4: {  	_ = 	snop  }
0x5: {  	_ = 	snop  }
0x6: {  	_ = 	snop  }
0x7: {  	_ = 	snop  }
__scs_overlays_trampoline_lowered:
0x8: {  	[smem:$0x3FAE] =	sst s0  }
0x9: {  	[smem:$0x3FAF] =	sst s1  }
0xa: {  	[smem:$0x3FB0] =	sst s2  }
0xb: {  	[smem:$0x3FB1] =	sst s3  }
0xc: {  	[smem:$0x3FB2] =	sst s4  }
0xd: {  	[smem:$0x3FB3] =	sst s5  }
0xe: {  	[smem:$0x3FB4] =	sst s6  }
0xf: {  	[smem:$0x3FB5] =	sst s7  }
0x10: {  	[smem:$0x3FB6] =	sst s8  }
0x11: {  	[smem:$0x3FB7] =	sst s9;
	s0 =	simm.s32 @!p0 $0x0  }
0x12: {  	s1 =	sld [smem:$0x3F9D];
	s0 =	simm.s32 @p0 $0x1  }
0x13: {  	[smem:$0x3FB8] =	sst s0;
	s0 =	simm.s32 @!p1 $0x0  }
0x14: {  	s2 =	sld [smem:$0x3F9C];
	s0 =	simm.s32 @p1 $0x1  }
0x15: {  	[smem:$0x3FB9] =	sst s0;
	s0 =	simm.s32 @!p2 $0x0  }
0x16: {  	s3 =	sld [smem:$0x3FDB];
	s0 =	simm.s32 @p2 $0x1  }
0x17: {  	s4 =	simm.s32 $0x1BF5;
	[smem:$0x3FBB] =	sst s0  }
0x18: {  	s0 =	sld [smem:$0x3F9E];
	_ =	swait.ge [sflag:s4], $0x0  }
0x19: {  	s7 =	sld [smem:$0x3F9F]  }
0x1a: {  	s8 =	sadd.s32 $0xFFFFE003, lr  }
0x1b: {  	s9 =	sadd.s32 $0xFFFFFEF7, lr;
	s5 =	simm.s32 $0xFFFFFFFF;
	p2 =	slt.u32 s8, $0xFFFFF086  }
0x1c: {  	p1 =	slt.u32 s9, $0xF7A;
	s5 =	simm.s32 @!p2 $0x0  }
0x1d: {  	s5 =	simm.s32 @p1 $0x1;
	p0 =	seq.s32 s7, s2  }
0x1e: {  	s7 =	smul.u32 @!p0 $0xF7A, s2;
	p2 =	seq.s32 @!p0 s5, $0x0  }
0x1f: {  	s9 =	smul.u32 $0xF7A, s1;
	s8 =	simm.s32 @!p0 $0x1BF5;
	p2 =	por !p2, p0  }
0x20: {  	[sflag:s8] =	ssyncset.s32 @!p0 $0xFFFFF086;
	s6 =	sadd.s32 @!p0 s3, s7;
	s7 =	simm.s32 @!p0 $0x108  }
0x21: {  	s3 =	sadd.s32 s3, s9;
	s6 =	sadd.s32 @!p0 $0x88, s6;
	s7 =	simm.s32 @p2 $0x1082  }
0x22: {  	[simem:s7], [sflag:s8] =	dma.local @!p0 [hbm:s6], $0xF7A  }
0x23: {  	s9 =	sor.u32 $0xD0000000, s2;
	s6 =	simm.s32 $0x108;
	_ =	swait.ge @!p0 [sflag:s8], $0x0  }
0x24: {  	s3 =	sadd.s32 $0x88, s3;
	s6 =	simm.s32 @!p1 $0x1082;
	[sflag:s4] =	ssyncset.s32 $0xFFFFF086  }
0x25: {  	[simem:s6], [sflag:s4] =	dma.local [hbm:s3], $0xF7A  }
0x26: {  	[smem:$0x3F9F] =	sst s1;
	(tag) =	ssettag s2;
	_ =	strace s9  }
0x27: {  	s1 =	sld [smem:$0x3FAF]  }
0x28: {  	s2 =	sld [smem:$0x3FB0]  }
0x29: {  	s4 =	sld [smem:$0x3FB2]  }
0x2a: {  	p0 =	seq.s32 s5, $0x0;
	s5 =	sld [smem:$0x3FB3]  }
0x2b: {  	s6 =	sld [smem:$0x3FB4]  }
0x2c: {  	s7 =	sld [smem:$0x3FB5]  }
0x2d: {  	s3 =	simm.s32 $0x108;
	s8 =	sld [smem:$0x3FB6]  }
0x2e: {  	s3 =	simm.s32 @!p0 $0x1082;
	s9 =	sld [smem:$0x3FB7]  }
0x2f: {  	lr =	sadd.s32 s0, s3;
	s0 =	sld [smem:$0x3FAE]  }
0x30: {  	s3 =	sld [smem:$0x3FB1]  }
0x31: {  	[smem:$0x3FBA] =	sst s10  }
0x32: {  	s10 =	sld [smem:$0x3FB8];
	_ =	sdelay $0x3  }
0x33: {  	p0 =	seq.s32 s10, $0x1;
	s10 =	sld [smem:$0x3FBA];
	_ =	sdelay $0x3  }
0x34: {  	[smem:$0x3FBA] =	sst s10  }
0x35: {  	s10 =	sld [smem:$0x3FB9];
	_ =	sdelay $0x3  }
0x36: {  	p1 =	seq.s32 s10, $0x1;
	s10 =	sld [smem:$0x3FBA];
	_ =	sdelay $0x3  }
0x37: {  	[smem:$0x3FBA] =	sst s10  }
0x38: {  	s10 =	sld [smem:$0x3FBB]  }
0x39: {  	_ = 	snop;
	(pc) =	sbr.ind lr, $3  }
0x3a: {  	_ = 	snop  }
0x3b: {  	_ = 	snop  }
0x3c: {  	p2 =	seq.s32 s10, $0x1;
	s10 =	sld [smem:$0x3FBA]  }
0x3d: {  	_ =	shalt  }
0x3e: {  	_ =	shalt  }
0x3f: {  	_ =	shalt  }
0x40: {  	_ =	shalt  }
0x41: {  	_ =	shalt  }
0x42: {  	_ =	shalt  }
0x43: {  	_ =	shalt  }
0x44: {  	_ =	shalt  }
0x45: {  	_ =	shalt  }
0x46: {  	_ =	shalt  }
0x47: {  	_ =	shalt  }
0x48: {  	_ =	shalt  }
0x49: {  	_ =	shalt  }
0x4a: {  	_ =	shalt  }
0x4b: {  	_ =	shalt  }
0x4c: {  	_ =	shalt  }
0x4d: {  	_ =	shalt  }
0x4e: {  	_ =	shalt  }
0x4f: {  	_ =	shalt  }
0x50: {  	_ =	shalt  }
0x51: {  	_ =	shalt  }
0x52: {  	_ =	shalt  }
0x53: {  	_ =	shalt  }
0x54: {  	_ =	shalt  }
0x55: {  	_ =	shalt  }
0x56: {  	_ =	shalt  }
0x57: {  	_ =	shalt  }
0x58: {  	_ =	shalt  }
0x59: {  	_ =	shalt  }
0x5a: {  	_ =	shalt  }
0x5b: {  	_ =	shalt  }
0x5c: {  	_ =	shalt  }
0x5d: {  	_ =	shalt  }
0x5e: {  	_ =	shalt  }
0x5f: {  	_ =	shalt  }
0x60: {  	_ =	shalt  }
0x61: {  	_ =	shalt  }
0x62: {  	_ =	shalt  }
0x63: {  	_ =	shalt  }
0x64: {  	_ =	shalt  }
0x65: {  	_ =	shalt  }
0x66: {  	_ =	shalt  }
0x67: {  	_ =	shalt  }
0x68: {  	_ =	shalt  }
0x69: {  	_ =	shalt  }
0x6a: {  	_ =	shalt  }
0x6b: {  	_ =	shalt  }
0x6c: {  	_ =	shalt  }
0x6d: {  	_ =	shalt  }
0x6e: {  	_ =	shalt  }
0x6f: {  	_ =	shalt  }
0x70: {  	_ =	shalt  }
0x71: {  	_ =	shalt  }
0x72: {  	_ =	shalt  }
0x73: {  	_ =	shalt  }
0x74: {  	_ =	shalt  }
0x75: {  	_ =	shalt  }
0x76: {  	_ =	shalt  }
0x77: {  	_ =	shalt  }
0x78: {  	_ =	shalt  }
0x79: {  	_ =	shalt  }
0x7a: {  	_ =	shalt  }
0x7b: {  	_ =	shalt  }
0x7c: {  	_ =	shalt  }
0x7d: {  	_ =	shalt  }
0x7e: {  	_ =	shalt  }
0x7f: {  	_ =	shalt  }
0x80: {  	_ =	shalt  }
0x81: {  	_ =	shalt  }
0x82: {  	_ =	shalt  }
0x83: {  	_ =	shalt  }
0x84: {  	_ =	shalt  }
0x85: {  	_ =	shalt  }
0x86: {  	_ =	shalt  }
0x87: {  	_ =	shalt  }
.Lfunc_end0:
.L_simem_size_0:
called_computation_lowered:
.L_overlay_start_0:
0x88: {  	s2 =	sld [smem:$0x3FD9]  }
0x89: {  	s3 =	sld [smem:$0x3FFE];
	_ =	sdelay $0x1  }
0x8a: {  	s1 =	srdreg.scid  }
0x8b: {  	s0 =	sand.u32 $0x1, s1  }
0x8c: {  	s17 =	sshll.u32 s0, $0xA;
	s2 =	sadd.s32 s3, s2  }
0x8d: {  	s2 =	sadd.s32 s2, s17  }
0x8e: {  	[smem:$0x3FC6] =	sst s2  }
0x8f: {  	_ = 	snop  }
0x90: {  	s2 =	sld [smem:$0x3FC9]  }
0x91: {  	s18 =	sld [smem:$0x3FD0];
	(tm) =	ssettm $0x1  }
0x92: {  	s4 =	sld [smem:$0x3FFB];
	_ =	sdelay $0x3  }
0x93: {  	_ =	strace s4  }
0x94: {  	s4 =	sld [smem:$0x3FFC];
	_ =	sdelay $0x3  }
0x95: {  	_ =	strace s4  }
0x96: {  	s4 =	sld [smem:$0x3FFD];
	_ =	sdelay $0x3  }
0x97: {  	_ =	strace s4  }
0x98: {  	_ =	strace $0x8FFFFFFF  }
0x99: {  	s19 =	sld [smem:$0x3FDB];
	_ =	sdelay $0x1  }
0x9a: {  	s5 =	simm.s32 $_scs_section_size  }
0x9b: {  	s6 =	simm.s32 $_size__tile_overlayer_lowered;
	s7 =	simm.s32 $_tile_overlayer_lowered  }
0x9c: {  	s22 =	simm.s32 $0x1BFF;
	s21 =	sshll.u32 s7, $0x1;
	s4 =	sadd.s32 s5, s19  }
0x9d: {  	s8 =	simm.s32 $0x0;
	s20 =	sshll.u32 s6, $0x1;
	s6 =	sadd.s32 s21, s4  }
0x9e: {  	[timem:s8], [sflag:s22] =	dma.local [hbm:s6], s20  }
0x9f: {  	_ =	swait.ge [sflag:s22], s20  }
0xa0: {  	s5 =	ssub.s32 $0x0, s20;
	[sflag:s22] =	ssyncset.done $0x0  }
0xa1: {  	[sflag:s22] =	ssyncadd.s32 s5;
	_ =	sdelay $0x1  }
0xa2: {  	s23 =	simm.s32 $0x1B8B  }
0xa3: {  	_ =	swait.ge [sflag:s23], $0x1  }
0xa4: {  	[sflag:s23] =	ssyncset.done $0x0  }
0xa5: {  	s25 =	simm.s32 $0x1B8E;
	s24 =	sld [smem:$0x3FFE];
	[sflag:s23] =	ssyncadd.s32 $0xFFFFFFFF  }
0xa6: {  	s26 =	simm.s32 $execute0_lowered;
	[smem:$0x3FD2] =	sst s25  }
0xa7: {  	s6 =	sshll.u32 s26, $0x1;
	_ =	strace $0x80000046;
	[dreg:$0x1] =	wrdreg $0xFFFFFFFF  }
0xa8: {  	s28 =	simm.s32 $_size_execute0_lowered;
	s4 =	sadd.s32 s4, s6;
	[dreg:$0x0] =	wrdreg $0x0  }
0xa9: {  	s6 =	sshll.u32 s28, $0x1;
	[dreg:$0x2] =	wrdreg s4  }
0xaa: {  	[dreg:$0x3] =	wrdreg s6  }
0xab: {  	[dreg:$0x4] =	wrdreg $0xC0  }
0xac: {  	_ =	task [dreg:s8], $0x5FFFF  }
0xad: {  	[dreg:$0x1] =	wrdreg $0xFFFFFFFF  }
0xae: {  	[dreg:$0x0] =	wrdreg $0x60  }
0xaf: {  	[dreg:$0x2] =	wrdreg s2  }
0xb0: {  	[dreg:$0x3] =	wrdreg s24  }
0xb1: {  	[dreg:$0x4] =	wrdreg s18  }
0xb2: {  	[dreg:$0x5] =	wrdreg $0x9  }
0xb3: {  	_ =	task.clear_ibuf [dreg:s8], $0x6FFFF;
	_ =	strace $0x90000046  }
0xb4: {  	s29 =	simm.s32 $0x9;
	_ =	strace $0x80000048  }
0xb5: {  	_ =	swait.ge [sflag:s29], $0x1  }
0xb6: {  	[sflag:s29] =	ssyncadd.s32 $0xFFFFFFFF  }
0xb7: {  	_ =	strace $0x90000048  }
0xb8: {  	_ =	sfence  }
0xb9: {  	s30 =	sld [smem:$0x0];
	_ =	sdelay $0x2  }
0xba: {  	s31 =	sshll.u32 s1, $0xD;
	s1 =	sshrl.u32 s1, $0x2  }
0xbb: {  	s3 =	sand.u32 $0x4000, s31;
	s1 =	sadd.s32 s1, s30  }
0xbc: {  	s0 =	sor.u32 s3, s0;
	s1 =	sshll.u32 s1, $0x11  }
0xbd: {  	s0 =	sor.u32 s1, s0  }
0xbe: {  	s0 =	sadd.s32 $0x8F2B, s0  }
0xbf: {  	[sflag:s0] =	ssyncadd.remote.s32 $0x1  }
0xc0: {  	_ =	sfence.sel $0xFFFF  }
0xc1: {  	[dreg:$0x0] =	wrdreg $0xFFFFFFFF;
	(pc) =	sbr.abs _section_cstart, $3  }
0xc2: {  	[dreg:$0x1] =	wrdreg $0xFFFFFFFF  }
0xc3: {  	_ =	task.clear_ibuf [dreg:s8], $0x2FFFF;
	_ =	strace $0x9FFFFFFF  }
0xc4: {  	(tm) =	ssettm $0x7FFFFFFF  }
0xc5: {  	_ =	shalt  }
tec
execute0_lowered:
.L_overlay_start_1:
0x0: {  	(tag) =	ssettag $0x1  }
0x1: {  	s0 =	rddreg [dreg:$0x0]  }
0x2: {  	s1 =	rddreg [dreg:$0x1]  }
0x3: {  	s2 =	rddreg [dreg:$0x2]  }
0x4: {  	s3 =	srdreg.scid;
	s8 =	stileid.u32;
	s5 =	simm.s32 $0x0  }
0x5: {  	s31 =	simm.s32 $0x2;
	s28 =	simm.s32 $0x11F80;
	s16 =	smul.u32 $0x700000, s8  }
0x6: {  	s4 =	sand.u32 $0x1, s3;
	[smem:$0x7FF] =	sst s5;
	s20 =	smul.u32 $0xE0000, s8  }
0x7: {  	s17 =	sshll.u32 s8, $0x1;
	s3 =	sadd.s32 $0xF42800, s1;
	s6 =	smul.u32 $0x380000, s4  }
0x8: {  	s5 =	sor.u32 s4, s17;
	s7 =	ssub.s32 $0x2, s4;
	s4 =	smul.u32 $0x70000, s4  }
0x9: {  	_ =	strace $0x80000047;
	s5 =	smul.u32 $0xC80, s5;
	s18 =	sshrl.u32 s7, $0x1  }
0xa: {  	s13 =	sadd.s32 s6, s16;
	s1 =	ssub.s32 s7, s18;
	s16 =	simm.s32 $0x5  }
0xb: {  	s18 =	simm.s32 $0x4;
	s6 =	sor.u32 $0x1A400, s13;
	s0 =	sadd.s32 s0, s5  }
0xc: {  	s1 =	smax.u32 s1, $0x1;
	s21 =	sor.u32 $0x18800, s13;
	s22 =	sor.u32 $0x16C00, s13  }
0xd: {  	s23 =	sor.u32 $0x13400, s13;
	s24 =	sor.u32 $0x11800, s13;
	s25 =	sor.u32 $0xC400, s13  }
0xe: {  	s26 =	sor.u32 $0xA800, s13;
	s29 =	sor.u32 $0x8C00, s13;
	[dreg:$0x4] =	wrdreg s0  }
0xf: {  	s30 =	sor.u32 $0x5400, s13;
	s19 =	sshrl.u32 s6, $0x3;
	[dreg:$0x5] =	wrdreg s1  }
0x10: {  	s1 =	sshrl.u32 s21, $0x3;
	s5 =	sshrl.u32 s22, $0x3;
	s0 =	sadd.s32 s20, s2  }
0x11: {  	s22 =	simm.s32 $0x3;
	s21 =	simm.s32 $0x11300;
	s6 =	sadd.s32 s19, s2  }
0x12: {  	s7 =	sadd.s32 s1, s2;
	s8 =	sadd.s32 s5, s2;
	s9 =	sadd.s32 s4, s0  }
0x13: {  	s0 =	sshrl.u32 s23, $0x3;
	s1 =	sshrl.u32 s24, $0x3;
	s4 =	sshrl.u32 s25, $0x3  }
0x14: {  	s23 =	simm.s32 $0xFA00;
	s24 =	simm.s32 $0x1;
	s25 =	simm.s32 $0x40  }
.Ltmp0:
0x15: {  	s5 =	simm.s32 $0xED80;
	s19 =	simm.s32 $0x10680;
	(pc) =	sbr.rel .LBB2_1-.Ltmp0, $4  }
0x16: {  	s10 =	sadd.s32 s0, s2;
	s11 =	sadd.s32 s1, s2;
	s12 =	sadd.s32 s4, s2  }
0x17: {  	s0 =	sshrl.u32 s26, $0x3;
	s1 =	sshrl.u32 s29, $0x3;
	s4 =	sshrl.u32 s30, $0x3  }
0x18: {  	s26 =	simm.s32 $0x80;
	s13 =	sadd.s32 s0, s2;
	s14 =	sadd.s32 s1, s2  }
0x19: {  	s15 =	sadd.s32 s4, s2;
	s4 =	simm.s32 $0xE100;
	s1 =	simm.s32 $0x0  }
.LBB2_4:
0x1a: {  	s1 =	rddreg [dreg:$0x6]  }
0x1b: {  	s0 =	rddreg [dreg:$0x5];
	s1 =	sadd.s32 $0x1, s1  }
0x1c: {  	p0 =	sne.s32 s1, s0  }
.Ltmp1:
0x1d: {  	_ = 	snop;
	(pc) =	sbr.rel @!p0 .LBB2_5-.Ltmp1, $1  }
0x1e: {  	_ =	sdelay $0x3  }
.LBB2_1:
0x1f: {  	[dreg:$0x6] =	wrdreg s1  }
0x20: {  	s0 =	simm.s32 $0x0;
	s17 =	rddreg [dreg:$0x4]  }
0x21: {  	[tilespmem:s0], [sflag:$0x5] =	stream.linear.gather [hbm4b:s17+s0], $0x6400, $0x38;
	[tilespmem:$0x12C00] =	vst v63  }
0x22: {  	_ =	swait.ge [sflag:s16], $0x6400  }
0x23: {  	[sflag:s16] =	ssyncset.done $0x0  }
0x24: {  	s1 =	simm.s32 $0xC8;
	s2 =	simm.s32 $0x6400;
	[sflag:s16] =	ssyncadd.s32 $0xFFFF9C00  }
0x25: {  	[tilespmem:s2], [sflag:$0x1] =	stream.indirect.gather [hbm4b:s3+s1], $0x40, s0, s1, $0xb8;
	[tilespmem:$0x12C00] =	vst v63  }
0x26: {  	s20 =	simm.s32 $0x9600  }
0x27: {  	[tilespmem:s20], [sflag:$0x2] =	stream.indirect.gather [hbm4b:s3+s1], $0x40, s1, s1, $0xb8;
	[tilespmem:$0x12C00] =	vst v63  }
0x28: {  	s29 =	simm.s32 $0x578;
	s17 =	simm.s32 $0xC800;
	s2 =	simm.s32 $0x190  }
0x29: {  	[tilespmem:s17], [sflag:$0x3] =	stream.indirect.gather [hbm4b:s3+s1], $0x40, s2, s1, $0xb8;
	[tilespmem:$0x12C00] =	vst v63  }
0x2a: {  	s30 =	simm.s32 $0x0;
	s20 =	simm.s32 $0x258;
	s2 =	simm.s32 $0xC8  }
0x2b: {  	[tilespmem:s23], [sflag:$0x4] =	stream.indirect.gather [hbm4b:s3+s1], $0x40, s20, s1, $0xb8;
	[tilespmem:$0x12C00] =	vst v63  }
.LBB2_2:
0x2c: {  	_ =	swait.ge [sflag:s24], $0x3200  }
0x2d: {  	[sflag:s24] =	ssyncset.done $0x0  }
0x2e: {  	s0 =	sadd.s32 s30, s9;
	s1 =	simm.s32 $0x6400;
	[sflag:s24] =	ssyncadd.s32 $0xFFFFCE00  }
0x2f: {  	[hbm4b:s0+s25] =	stream.strided.scatter [tilespmem:s1], [sflag:$0x5], $0xC80, s26, s25, $0x38;
	[tilespmem:$0x12C00] =	vst v63  }
0x30: {  	_ =	swait.ge [sflag:s16], $0xC80  }
0x31: {  	[sflag:s16] =	ssyncset.done $0x0  }
0x32: {  	s17 =	simm.s32 $0x7080;
	s20 =	sadd.s32 $0x380, s0;
	[sflag:s16] =	ssyncadd.s32 $0xFFFFF380  }
0x33: {  	[hbm4b:s20+s25] =	stream.strided.scatter [tilespmem:s17], [sflag:$0x5], $0xC80, s26, s25, $0x38;
	[tilespmem:$0x12C00] =	vst v63  }
0x34: {  	_ =	swait.ge [sflag:s16], $0xC80  }
0x35: {  	[sflag:s16] =	ssyncset.done $0x0  }
0x36: {  	s17 =	sadd.s32 $0x700, s0;
	s20 =	simm.s32 $0x7D00;
	[sflag:s16] =	ssyncadd.s32 $0xFFFFF380  }
0x37: {  	[hbm4b:s17+s25] =	stream.strided.scatter [tilespmem:s20], [sflag:$0x5], $0xC80, s26, s25, $0x38;
	[tilespmem:$0x12C00] =	vst v63  }
0x38: {  	_ =	swait.ge [sflag:s16], $0xC80  }
0x39: {  	[sflag:s16] =	ssyncset.done $0x0  }
0x3a: {  	s17 =	sadd.s32 s30, s15;
	s20 =	simm.s32 $0x8980;
	[sflag:s16] =	ssyncadd.s32 $0xFFFFF380  }
0x3b: {  	[hbm4b:s17+s25] =	stream.strided.scatter [tilespmem:s20], [sflag:$0x5], $0xC80, s26, s25, $0x38;
	[tilespmem:$0x12C00] =	vst v63  }
0x3c: {  	p0 =	seq.s32 s30, $0x6C800;
	_ =	swait.ge [sflag:s16], $0xC80  }
0x3d: {  	s1 =	sadd.s32 @!p0 $0xFFFFFDA8, s29;
	[sflag:s16] =	ssyncset.done $0x0  }
0x3e: {  	s17 =	simm.s32 @!p0 $0xC8;
	s20 =	simm.s32 @!p0 $0x6400;
	[sflag:s16] =	ssyncadd.s32 $0xFFFFF380  }
0x3f: {  	[tilespmem:s20], [sflag:$0x1] =	stream.indirect.gather @!p0 [hbm4b:s3+s17], $0x40, s1, s17, $0xb8;
	[tilespmem:$0x12C00] =	vst v63  }
0x40: {  	_ =	swait.ge [sflag:s31], $0x3200  }
0x41: {  	[sflag:s31] =	ssyncset.done $0x0  }
0x42: {  	s1 =	sadd.s32 $0xE00, s0;
	s20 =	simm.s32 $0x9600;
	[sflag:s31] =	ssyncadd.s32 $0xFFFFCE00  }
0x43: {  	[hbm4b:s1+s25] =	stream.strided.scatter [tilespmem:s20], [sflag:$0x5], $0xC80, s26, s25, $0x38;
	[tilespmem:$0x12C00] =	vst v63  }
0x44: {  	_ =	swait.ge [sflag:s16], $0xC80  }
0x45: {  	[sflag:s16] =	ssyncset.done $0x0  }
0x46: {  	s1 =	sadd.s32 s30, s14;
	s20 =	simm.s32 $0xA280;
	[sflag:s16] =	ssyncadd.s32 $0xFFFFF380  }
0x47: {  	[hbm4b:s1+s25] =	stream.strided.scatter [tilespmem:s20], [sflag:$0x5], $0xC80, s26, s25, $0x38;
	[tilespmem:$0x12C00] =	vst v63  }
0x48: {  	_ =	swait.ge [sflag:s16], $0xC80  }
0x49: {  	[sflag:s16] =	ssyncset.done $0x0  }
0x4a: {  	s1 =	sadd.s32 s30, s13;
	s20 =	simm.s32 $0xAF00;
	[sflag:s16] =	ssyncadd.s32 $0xFFFFF380  }
0x4b: {  	[hbm4b:s1+s25] =	stream.strided.scatter [tilespmem:s20], [sflag:$0x5], $0xC80, s26, s25, $0x38;
	[tilespmem:$0x12C00] =	vst v63  }
0x4c: {  	_ =	swait.ge [sflag:s16], $0xC80  }
0x4d: {  	[sflag:s16] =	ssyncset.done $0x0  }
0x4e: {  	s1 =	sadd.s32 s30, s12;
	s20 =	simm.s32 $0xBB80;
	[sflag:s16] =	ssyncadd.s32 $0xFFFFF380  }
0x4f: {  	[hbm4b:s1+s25] =	stream.strided.scatter [tilespmem:s20], [sflag:$0x5], $0xC80, s26, s25, $0x38;
	[tilespmem:$0x12C00] =	vst v63  }
0x50: {  	_ =	swait.ge [sflag:s16], $0xC80  }
0x51: {  	[sflag:s16] =	ssyncset.done $0x0  }
0x52: {  	s1 =	sadd.s32 @!p0 $0xFFFFFE70, s29;
	s20 =	simm.s32 @!p0 $0x9600;
	[sflag:s16] =	ssyncadd.s32 $0xFFFFF380  }
0x53: {  	[tilespmem:s20], [sflag:$0x2] =	stream.indirect.gather @!p0 [hbm4b:s3+s17], $0x40, s1, s17, $0xb8;
	[tilespmem:$0x12C00] =	vst v63  }
0x54: {  	_ =	swait.ge [sflag:s22], $0x3200  }
0x55: {  	[sflag:s22] =	ssyncset.done $0x0  }
0x56: {  	s1 =	sadd.s32 $0x1C00, s0;
	s20 =	simm.s32 $0xC800;
	[sflag:s22] =	ssyncadd.s32 $0xFFFFCE00  }
0x57: {  	[hbm4b:s1+s25] =	stream.strided.scatter [tilespmem:s20], [sflag:$0x5], $0xC80, s26, s25, $0x38;
	[tilespmem:$0x12C00] =	vst v63  }
0x58: {  	_ =	swait.ge [sflag:s16], $0xC80  }
0x59: {  	[sflag:s16] =	ssyncset.done $0x0  }
0x5a: {  	s1 =	sadd.s32 $0x1F80, s0;
	s20 =	simm.s32 $0xD480;
	[sflag:s16] =	ssyncadd.s32 $0xFFFFF380  }
0x5b: {  	[hbm4b:s1+s25] =	stream.strided.scatter [tilespmem:s20], [sflag:$0x5], $0xC80, s26, s25, $0x38;
	[tilespmem:$0x12C00] =	vst v63  }
0x5c: {  	_ =	swait.ge [sflag:s16], $0xC80  }
0x5d: {  	[sflag:s16] =	ssyncset.done $0x0  }
0x5e: {  	s20 =	sadd.s32 s30, s11;
	[sflag:s16] =	ssyncadd.s32 $0xFFFFF380  }
0x5f: {  	[hbm4b:s20+s25] =	stream.strided.scatter [tilespmem:s4], [sflag:$0x5], $0xC80, s26, s25, $0x38;
	[tilespmem:$0x12C00] =	vst v63  }
0x60: {  	_ =	swait.ge [sflag:s16], $0xC80  }
0x61: {  	[sflag:s16] =	ssyncset.done $0x0  }
0x62: {  	s20 =	sadd.s32 s30, s10;
	[sflag:s16] =	ssyncadd.s32 $0xFFFFF380  }
0x63: {  	[hbm4b:s20+s25] =	stream.strided.scatter [tilespmem:s5], [sflag:$0x5], $0xC80, s26, s25, $0x38;
	[tilespmem:$0x12C00] =	vst v63  }
0x64: {  	_ =	swait.ge [sflag:s16], $0xC80  }
0x65: {  	[sflag:s16] =	ssyncset.done $0x0  }
0x66: {  	s1 =	sadd.s32 @!p0 $0xFFFFFF38, s29;
	s20 =	simm.s32 @!p0 $0xC800;
	[sflag:s16] =	ssyncadd.s32 $0xFFFFF380  }
0x67: {  	[tilespmem:s20], [sflag:$0x3] =	stream.indirect.gather @!p0 [hbm4b:s3+s17], $0x40, s1, s17, $0xb8;
	[tilespmem:$0x12C00] =	vst v63  }
0x68: {  	_ =	swait.ge [sflag:s18], $0x3200  }
0x69: {  	[sflag:s18] =	ssyncset.done $0x0  }
0x6a: {  	s0 =	sadd.s32 $0x2A00, s0;
	[sflag:s18] =	ssyncadd.s32 $0xFFFFCE00  }
0x6b: {  	[hbm4b:s0+s25] =	stream.strided.scatter [tilespmem:s23], [sflag:$0x5], $0xC80, s26, s25, $0x38;
	[tilespmem:$0x12C00] =	vst v63  }
0x6c: {  	_ =	swait.ge [sflag:s16], $0xC80  }
0x6d: {  	[sflag:s16] =	ssyncset.done $0x0  }
0x6e: {  	s1 =	sadd.s32 s30, s8;
	[sflag:s16] =	ssyncadd.s32 $0xFFFFF380  }
0x6f: {  	[hbm4b:s1+s25] =	stream.strided.scatter [tilespmem:s19], [sflag:$0x5], $0xC80, s26, s25, $0x38;
	[tilespmem:$0x12C00] =	vst v63  }
0x70: {  	_ =	swait.ge [sflag:s16], $0xC80  }
0x71: {  	[sflag:s16] =	ssyncset.done $0x0  }
0x72: {  	s17 =	sadd.s32 s30, s7;
	[sflag:s16] =	ssyncadd.s32 $0xFFFFF380  }
0x73: {  	[hbm4b:s17+s25] =	stream.strided.scatter [tilespmem:s21], [sflag:$0x5], $0xC80, s26, s25, $0x38;
	[tilespmem:$0x12C00] =	vst v63  }
0x74: {  	_ =	swait.ge [sflag:s16], $0xC80  }
0x75: {  	[sflag:s16] =	ssyncset.done $0x0  }
.Ltmp2:
0x76: {  	s20 =	sadd.s32 s30, s6;
	[sflag:s16] =	ssyncadd.s32 $0xFFFFF380;
	(pc) =	sbr.rel @p0 .LBB2_4-.Ltmp2, $4  }
0x77: {  	[hbm4b:s20+s25] =	stream.strided.scatter [tilespmem:s28], [sflag:$0x5], $0xC80, s26, s25, $0x38;
	[tilespmem:$0x12C00] =	vst v63  }
0x78: {  	_ =	swait.ge [sflag:s16], $0xC80  }
0x79: {  	[sflag:s16] =	ssyncset.done $0x0  }
0x7a: {  	[sflag:s16] =	ssyncadd.s32 $0xFFFFF380  }
.Ltmp3:
0x7b: {  	(pc) =	sbr.rel .LBB2_2-.Ltmp3, $3  }
0x7c: {  	_ =	sdelay $0x1  }
0x7d: {  	[tilespmem:s23], [sflag:$0x4] =	stream.indirect.gather [hbm4b:s3+s2], $0x40, s29, s2, $0xb8;
	[tilespmem:$0x12C00] =	vst v63  }
0x7e: {  	s29 =	sadd.s32 $0x320, s29;
	s30 =	sadd.s32 $0x3800, s30  }
.LBB2_5:
0x7f: {  	_ =	sfence.sel $0x180000  }
0x80: {  	[bflag:$0x0] =	sbarrier.arrive $0xFFFF  }
0x81: {  	_ =	strace $0x90000047  }
0x82: {  	s0 =	stileid.u32;
	[bflag:$0x2] =	sbarrier.arrive $0xFFFF  }
0x83: {  	p0 =	sne.s32 s0, $0x0;
	s0 =	rddreg [dreg:$0x3]  }
0x84: {  	s0 =	sadd.s32 @!p0 $0x100000, s0  }
0x85: {  	[sflag:s0] =	ssyncadd.tile.s32 @!p0 $0x1;
	_ =	shalt  }
.Lfunc_end2:
_tile_overlayer_lowered:
.L_overlay_start_2:
0x86: {  	(tag) =	ssettag $0x2  }
0x87: {  	s0 =	rddreg [dreg:$0x0];
	s2 =	stileid.u32  }
0x88: {  	s1 =	rddreg [dreg:$0x1];
	p0 =	sne.s32 s2, $0x0  }
0x89: {  	s3 =	rddreg [dreg:$0x2];
	[bflag:$0x3] =	sbarrier.arrive $0xFFFF;
	s2 =	simm.s32 @!p0 $0x1C05  }
0x8a: {  	[timem:s3], [sflag:s2] =	dma.local @!p0 [hbm:s0], s1  }
0x8b: {  	s0 =	simm.s32 @!p0 $0x5  }
0x8c: {  	_ =	swait.ge @!p0 [sflag:s0], s1  }
0x8d: {  	s1 =	ssub.s32 @!p0 $0x0, s1;
	[sflag:s0] =	ssyncset.done @!p0 $0x0  }
0x8e: {  	[sflag:s0] =	ssyncadd.s32 @!p0 s1  }
0x8f: {  	[bflag:$0x3] =	sbarrier.arrive $0xFFFF  }
0x90: {  	_ =	shalt  }

</sc_bundles>
